<compile_context>
chip_gen: v7x
topology: tpu7x:2x2x1
jax: 0.10.2.dev20260603
libtpu: 0.0.44.dev20260713+nightly
codegen_flags: <defaults>
</compile_context>

<pallas_src>
import functools

import jax
import jax.numpy as jnp
from jax import lax
from jax.experimental import pallas as pl
from jax.experimental.pallas import tpu as pltpu
from jax.experimental.pallas import tpu_sc as plsc

_N = 20000
_K = 5000
_T = 1280
_KP = 5120
_NSTRIP = _KP // _T
_THR = 0.5
_NCOL = 7


_NW = 32
_PER_W = _KP // _NW

_sc_mesh = plsc.VectorSubcoreMesh(core_axis_name="c", subcore_axis_name="s")


@functools.partial(
    pl.kernel,
    mesh=_sc_mesh,
    out_type=tuple(
        jax.ShapeDtypeStruct((_KP,), jnp.float32) for _ in range(_NCOL)),
    scratch_types=[pltpu.VMEM((_PER_W,), jnp.int32)]
    + [pltpu.VMEM((_PER_W,), jnp.float32) for _ in range(_NCOL)]
    + [pltpu.SemaphoreType.DMA],
)
def _sc_gather(*refs):
    idx_hbm = refs[0]
    cols_hbm = refs[1:1 + _NCOL]
    outs_hbm = refs[1 + _NCOL:1 + 2 * _NCOL]
    idx_v = refs[1 + 2 * _NCOL]
    cols_v = refs[2 + 2 * _NCOL:2 + 3 * _NCOL]
    sem = refs[2 + 3 * _NCOL]
    wid = lax.axis_index("s") * 2 + lax.axis_index("c")
    base = wid * _PER_W
    pltpu.sync_copy(idx_hbm.at[pl.ds(base, _PER_W)], idx_v)
    handles = [
        pltpu.async_copy(cols_hbm[c].at[idx_v], cols_v[c], sem)
        for c in range(_NCOL)
    ]
    for h in handles:
        h.wait()
    for c in range(_NCOL):
        pltpu.sync_copy(cols_v[c], outs_hbm[c].at[pl.ds(base, _PER_W)])



def _nms_body(cxc_ref, cyc_ref, czc_ref, wc_ref, lc_ref, hc_ref, sc_ref,
              out_ref):
    i = pl.program_id(0)
    me = pl.ds(i * _T, _T)

    def rowv(ref):
        return jnp.transpose(ref[:, me], (1, 0))

    cxr = rowv(cxc_ref)
    cyr = rowv(cyc_ref)
    wr = rowv(wc_ref)
    lr = rowv(lc_ref)
    x1r = cxr - wr * 0.5
    x2r = cxr + wr * 0.5
    y1r = cyr - lr * 0.5
    y2r = cyr + lr * 0.5
    ar2 = wr * lr * (_THR / (1.0 + _THR))

    def tile_s(csl, r0, r1, w):
        cxc = cxc_ref[:, csl]
        cyc = cyc_ref[:, csl]
        wc = wc_ref[:, csl]
        lc = lc_ref[:, csl]
        x1c = cxc - wc * 0.5
        x2c = cxc + wc * 0.5
        y1c = cyc - lc * 0.5
        y2c = cyc + lc * 0.5
        ac2 = wc * lc * (_THR / (1.0 + _THR))
        ix = (jnp.minimum(x2r[r0:r1], x2c) - jnp.maximum(x1r[r0:r1], x1c))
        iy = jnp.maximum(
            jnp.minimum(y2r[r0:r1], y2c) - jnp.maximum(y1r[r0:r1], y1c), 0.0)
        inter = ix * iy
        return inter - (ar2[r0:r1] + ac2)

    def lane_fold(s):
        m = s[:, 0:128]
        for k in range(128, s.shape[1], 128):
            m = jnp.maximum(m, s[:, k:k + 128])
        return m

    def body(j, m):
        return jnp.maximum(m, lane_fold(tile_s(pl.ds(j * _T, _T), 0, _T, _T)))

    m = lax.fori_loop(0, i, body, jnp.full((_T, 128), -1.0, jnp.float32))
    _H = _T // 2
    row_ids = lax.broadcasted_iota(jnp.int32, (_H, 1), 0)
    col_ids = lax.broadcasted_iota(jnp.int32, (1, _H), 1)
    tri = col_ids < row_ids
    sa = tile_s(pl.ds(i * _T, _H), 0, _H, _H)
    m0 = lane_fold(jnp.where(tri, sa, -1.0))
    sb = tile_s(pl.ds(i * _T, _H), _H, _T, _H)
    sc = tile_s(pl.ds(i * _T + _H, _H), _H, _T, _H)
    m1 = jnp.maximum(lane_fold(sb), lane_fold(jnp.where(tri, sc, -1.0)))
    m = jnp.maximum(m, jnp.concatenate([m0, m1], axis=0))
    keep = (jnp.max(m, axis=1, keepdims=True) <= 0.0).astype(jnp.float32)
    row8 = jnp.concatenate(
        [cxr, cyr, rowv(czc_ref), wr, lr, rowv(hc_ref), rowv(sc_ref),
         jnp.zeros((_T, 1), jnp.float32)], axis=1)
    out_ref[...] = row8 * keep


_col_spec = pl.BlockSpec((1, _KP), lambda i: (0, 0))

_nms_call = pl.pallas_call(
    _nms_body,
    grid=(_NSTRIP,),
    in_specs=[_col_spec] * 7,
    out_specs=pl.BlockSpec((_T, 8), lambda i: (i, 0)),
    out_shape=jax.ShapeDtypeStruct((_KP, 8), jnp.float32),
)


@jax.jit
def kernel(boxes, scores):
    _, top_idx = lax.top_k(scores, _KP)
    boxes_t = boxes.T
    cols = [boxes_t[c] for c in range(6)] + [scores]
    g = _sc_gather(top_idx, *cols)
    cvecs = [v[None, :] for v in g]
    out = _nms_call(*cvecs)
    return out[:_K, :7]

# --- scband reference (transcript-rebuilt; emitter-appended) ---
"""Pipeline reference for scband-tree-rcnn-49581102465721 (READ-ONLY COPY).

The authoritative reference and input builder live on the scoring server;
editing this copy changes nothing except your own understanding.
"""

import jax, jax.numpy as jnp
import numpy as np

N_BOXES = 20000
K_KEEP = 5000
IOU_THRESH = 0.5


def setup_inputs(seed: int = 0) -> dict:
    key = jax.random.key(seed)
    k1, k2, k3 = jax.random.split(key, 3)
    centers = jax.random.uniform(k1, (N_BOXES, 3), dtype=jnp.float32) * 100.0
    sizes = jax.random.uniform(k2, (N_BOXES, 3), dtype=jnp.float32) * 4.0 + 0.5
    boxes = jnp.concatenate([centers, sizes], axis=1)  # [N, 6] = cx, cy, cz, w, l, h
    scores = jax.random.uniform(k3, (N_BOXES,), dtype=jnp.float32)
    return {"boxes": boxes, "scores": scores}


def _pairwise_iou_bev(b):
    # b: [K, 6] axis-aligned boxes (cx, cy, cz, w, l, h); BEV IoU over the xy plane,
    # matching TreeRCNN's axis-aligned box convention in _subsample_points_in_box.
    x, y, w, l = b[:, 0], b[:, 1], b[:, 3], b[:, 4]
    x1 = x - w / 2.0
    x2 = x + w / 2.0
    y1 = y - l / 2.0
    y2 = y + l / 2.0
    ix = jnp.maximum(0.0, jnp.minimum(x2[:, None], x2[None, :]) - jnp.maximum(x1[:, None], x1[None, :]))
    iy = jnp.maximum(0.0, jnp.minimum(y2[:, None], y2[None, :]) - jnp.maximum(y1[:, None], y1[None, :]))
    inter = ix * iy
    area = w * l
    union = area[:, None] + area[None, :] - inter
    return inter / jnp.maximum(union, 1e-8)


def reference(boxes, scores):
    # Stage-2 inference core of TreeRCNN: rank proposals by score, gather their boxes,
    # suppress overlapping detections (fast/matrix NMS), and emit final (boxes, scores).
    top_scores, top_idx = jax.lax.top_k(scores, K_KEEP)          # sort-by-score (SparseCore sort/top-k)
    top_boxes = jnp.take(boxes, top_idx, axis=0)                  # gather
    iou = _pairwise_iou_bev(top_boxes)                            # [K, K]
    # boxes are in descending score order; a box i is suppressed if any higher-scored
    # box j < i overlaps it above IOU_THRESH (fast-NMS approximation of greedy NMS)
    upper = jnp.triu(iou, k=1)
    max_overlap = jnp.max(upper, axis=0)                          # per-column max over higher-scored rows
    keep = (max_overlap <= IOU_THRESH).astype(boxes.dtype)
    out = jnp.concatenate([top_boxes, top_scores[:, None]], axis=1) * keep[:, None]
    return out  # [K_KEEP, 7] = kept boxes (6) + score (1), suppressed rows zeroed

if __name__ == "__main__":
    import jax
    _d = setup_inputs()
    print(jax.jit(kernel)(*tuple(_d.values())))

</pallas_src>

<mosaic_0001>
#map = affine_map<(d0, d1) -> (0)>
module attributes {stable_mosaic.version = 14 : i64} {
  func.func @_sc_gather(%arg0: i32, %arg1: i32, %arg2: memref<5120xi32, #tpu.memory_space<hbm>>, %arg3: memref<20000xf32, #tpu.memory_space<hbm>>, %arg4: memref<20000xf32, #tpu.memory_space<hbm>>, %arg5: memref<20000xf32, #tpu.memory_space<hbm>>, %arg6: memref<20000xf32, #tpu.memory_space<hbm>>, %arg7: memref<20000xf32, #tpu.memory_space<hbm>>, %arg8: memref<20000xf32, #tpu.memory_space<hbm>>, %arg9: memref<20000xf32, #tpu.memory_space<hbm>>, %arg10: memref<5120xf32, #tpu.memory_space<hbm>>, %arg11: memref<5120xf32, #tpu.memory_space<hbm>>, %arg12: memref<5120xf32, #tpu.memory_space<hbm>>, %arg13: memref<5120xf32, #tpu.memory_space<hbm>>, %arg14: memref<5120xf32, #tpu.memory_space<hbm>>, %arg15: memref<5120xf32, #tpu.memory_space<hbm>>, %arg16: memref<5120xf32, #tpu.memory_space<hbm>>, %arg17: memref<160xi32, #tpu.memory_space<vmem>>, %arg18: memref<160xf32, #tpu.memory_space<vmem>>, %arg19: memref<160xf32, #tpu.memory_space<vmem>>, %arg20: memref<160xf32, #tpu.memory_space<vmem>>, %arg21: memref<160xf32, #tpu.memory_space<vmem>>, %arg22: memref<160xf32, #tpu.memory_space<vmem>>, %arg23: memref<160xf32, #tpu.memory_space<vmem>>, %arg24: memref<160xf32, #tpu.memory_space<vmem>>, %arg25: memref<!tpu.dma_semaphore, #tpu.memory_space<semaphore_mem>>) attributes {dimension_semantics = [#tpu.dimension_semantics<core_parallel>, #tpu.dimension_semantics<subcore_parallel>], iteration_bounds = array<i64: 2, 16>, scalar_prefetch = 0 : i64, scratch_operands = 9 : i64, tpu.core_type = #tpu.core_type<sc_vector_subcore>, window_params = [{transform_indices = #map}, {transform_indices = #map}, {transform_indices = #map}, {transform_indices = #map}, {transform_indices = #map}, {transform_indices = #map}, {transform_indices = #map}, {transform_indices = #map}, {transform_indices = #map}, {transform_indices = #map}, {transform_indices = #map}, {transform_indices = #map}, {transform_indices = #map}, {transform_indices = #map}, {transform_indices = #map}]} {
    %mul3A = arith.constant 2 : i32
    %mul3A_0 = arith.muli %arg1, %mul3A : i32
    %add3A = arith.addi %mul3A_0, %arg0 : i32
    %mul3A_1 = arith.constant 160 : i32
    %mul3A_2 = arith.muli %add3A, %mul3A_1 : i32
    "tpu.region"() ({
      %run_scoped3A = tpu.sem_alloc : memref<!tpu.dma_semaphore, #tpu.memory_space<semaphore_mem>>
      %dma_start3A_29 = tpu.memref_slice %arg2[%mul3A_2] : memref<5120xi32, #tpu.memory_space<hbm>> -> memref<160xi32, #tpu.memory_space<hbm>>
      %dma_start3A_30 = tpu.memref_slice %arg2[%mul3A_2] : memref<5120xi32, #tpu.memory_space<hbm>> -> memref<160xi32, #tpu.memory_space<hbm>>
      tpu.enqueue_dma source(%dma_start3A_30 : memref<160xi32, #tpu.memory_space<hbm>>) target(%arg17 : memref<160xi32, #tpu.memory_space<vmem>>) target_semaphore(%run_scoped3A : memref<!tpu.dma_semaphore, #tpu.memory_space<semaphore_mem>>)
      %dma_wait3A_31 = tpu.memref_slice %arg2[%mul3A_2] : memref<5120xi32, #tpu.memory_space<hbm>> -> memref<160xi32, #tpu.memory_space<hbm>>
      %dma_wait3A_32 = tpu.memref_slice %arg2[%mul3A_2] : memref<5120xi32, #tpu.memory_space<hbm>> -> memref<160xi32, #tpu.memory_space<hbm>>
      tpu.wait_dma2 semaphore(%run_scoped3A : memref<!tpu.dma_semaphore, #tpu.memory_space<semaphore_mem>>) src(%dma_wait3A_32 : memref<160xi32, #tpu.memory_space<hbm>>) dst(%arg17 : memref<160xi32, #tpu.memory_space<vmem>>)
      tpu.yield
    }) : () -> ()
    %dma_start3A = arith.constant 0 : i32
    %dma_start3A_3 = tpu.memref_slice %arg3[%dma_start3A] : memref<20000xf32, #tpu.memory_space<hbm>> -> memref<20000xf32, #tpu.memory_space<hbm>>
    tpu.enqueue_indirect_dma source(%dma_start3A_3 : memref<20000xf32, #tpu.memory_space<hbm>>) target(%arg18 : memref<160xf32, #tpu.memory_space<vmem>>) offsets(%arg17 : memref<160xi32, #tpu.memory_space<vmem>>) semaphore(%arg25 : memref<!tpu.dma_semaphore, #tpu.memory_space<semaphore_mem>>)
    %dma_start3A_4 = arith.constant 0 : i32
    %dma_start3A_5 = tpu.memref_slice %arg4[%dma_start3A_4] : memref<20000xf32, #tpu.memory_space<hbm>> -> memref<20000xf32, #tpu.memory_space<hbm>>
    tpu.enqueue_indirect_dma source(%dma_start3A_5 : memref<20000xf32, #tpu.memory_space<hbm>>) target(%arg19 : memref<160xf32, #tpu.memory_space<vmem>>) offsets(%arg17 : memref<160xi32, #tpu.memory_space<vmem>>) semaphore(%arg25 : memref<!tpu.dma_semaphore, #tpu.memory_space<semaphore_mem>>)
    %dma_start3A_6 = arith.constant 0 : i32
    %dma_start3A_7 = tpu.memref_slice %arg5[%dma_start3A_6] : memref<20000xf32, #tpu.memory_space<hbm>> -> memref<20000xf32, #tpu.memory_space<hbm>>
    tpu.enqueue_indirect_dma source(%dma_start3A_7 : memref<20000xf32, #tpu.memory_space<hbm>>) target(%arg20 : memref<160xf32, #tpu.memory_space<vmem>>) offsets(%arg17 : memref<160xi32, #tpu.memory_space<vmem>>) semaphore(%arg25 : memref<!tpu.dma_semaphore, #tpu.memory_space<semaphore_mem>>)
    %dma_start3A_8 = arith.constant 0 : i32
    %dma_start3A_9 = tpu.memref_slice %arg6[%dma_start3A_8] : memref<20000xf32, #tpu.memory_space<hbm>> -> memref<20000xf32, #tpu.memory_space<hbm>>
    tpu.enqueue_indirect_dma source(%dma_start3A_9 : memref<20000xf32, #tpu.memory_space<hbm>>) target(%arg21 : memref<160xf32, #tpu.memory_space<vmem>>) offsets(%arg17 : memref<160xi32, #tpu.memory_space<vmem>>) semaphore(%arg25 : memref<!tpu.dma_semaphore, #tpu.memory_space<semaphore_mem>>)
    %dma_start3A_10 = arith.constant 0 : i32
    %dma_start3A_11 = tpu.memref_slice %arg7[%dma_start3A_10] : memref<20000xf32, #tpu.memory_space<hbm>> -> memref<20000xf32, #tpu.memory_space<hbm>>
    tpu.enqueue_indirect_dma source(%dma_start3A_11 : memref<20000xf32, #tpu.memory_space<hbm>>) target(%arg22 : memref<160xf32, #tpu.memory_space<vmem>>) offsets(%arg17 : memref<160xi32, #tpu.memory_space<vmem>>) semaphore(%arg25 : memref<!tpu.dma_semaphore, #tpu.memory_space<semaphore_mem>>)
    %dma_start3A_12 = arith.constant 0 : i32
    %dma_start3A_13 = tpu.memref_slice %arg8[%dma_start3A_12] : memref<20000xf32, #tpu.memory_space<hbm>> -> memref<20000xf32, #tpu.memory_space<hbm>>
    tpu.enqueue_indirect_dma source(%dma_start3A_13 : memref<20000xf32, #tpu.memory_space<hbm>>) target(%arg23 : memref<160xf32, #tpu.memory_space<vmem>>) offsets(%arg17 : memref<160xi32, #tpu.memory_space<vmem>>) semaphore(%arg25 : memref<!tpu.dma_semaphore, #tpu.memory_space<semaphore_mem>>)
    %dma_start3A_14 = arith.constant 0 : i32
    %dma_start3A_15 = tpu.memref_slice %arg9[%dma_start3A_14] : memref<20000xf32, #tpu.memory_space<hbm>> -> memref<20000xf32, #tpu.memory_space<hbm>>
    tpu.enqueue_indirect_dma source(%dma_start3A_15 : memref<20000xf32, #tpu.memory_space<hbm>>) target(%arg24 : memref<160xf32, #tpu.memory_space<vmem>>) offsets(%arg17 : memref<160xi32, #tpu.memory_space<vmem>>) semaphore(%arg25 : memref<!tpu.dma_semaphore, #tpu.memory_space<semaphore_mem>>)
    %dma_wait3A = arith.constant 0 : i32
    %dma_wait3A_16 = tpu.memref_slice %arg3[%dma_wait3A] : memref<20000xf32, #tpu.memory_space<hbm>> -> memref<20000xf32, #tpu.memory_space<hbm>>
    tpu.wait_indirect_dma semaphore(%arg25 : memref<!tpu.dma_semaphore, #tpu.memory_space<semaphore_mem>>) src(%dma_wait3A_16 : memref<20000xf32, #tpu.memory_space<hbm>>) dst(%arg18 : memref<160xf32, #tpu.memory_space<vmem>>)
    %dma_wait3A_17 = arith.constant 0 : i32
    %dma_wait3A_18 = tpu.memref_slice %arg4[%dma_wait3A_17] : memref<20000xf32, #tpu.memory_space<hbm>> -> memref<20000xf32, #tpu.memory_space<hbm>>
    tpu.wait_indirect_dma semaphore(%arg25 : memref<!tpu.dma_semaphore, #tpu.memory_space<semaphore_mem>>) src(%dma_wait3A_18 : memref<20000xf32, #tpu.memory_space<hbm>>) dst(%arg19 : memref<160xf32, #tpu.memory_space<vmem>>)
    %dma_wait3A_19 = arith.constant 0 : i32
    %dma_wait3A_20 = tpu.memref_slice %arg5[%dma_wait3A_19] : memref<20000xf32, #tpu.memory_space<hbm>> -> memref<20000xf32, #tpu.memory_space<hbm>>
    tpu.wait_indirect_dma semaphore(%arg25 : memref<!tpu.dma_semaphore, #tpu.memory_space<semaphore_mem>>) src(%dma_wait3A_20 : memref<20000xf32, #tpu.memory_space<hbm>>) dst(%arg20 : memref<160xf32, #tpu.memory_space<vmem>>)
    %dma_wait3A_21 = arith.constant 0 : i32
    %dma_wait3A_22 = tpu.memref_slice %arg6[%dma_wait3A_21] : memref<20000xf32, #tpu.memory_space<hbm>> -> memref<20000xf32, #tpu.memory_space<hbm>>
    tpu.wait_indirect_dma semaphore(%arg25 : memref<!tpu.dma_semaphore, #tpu.memory_space<semaphore_mem>>) src(%dma_wait3A_22 : memref<20000xf32, #tpu.memory_space<hbm>>) dst(%arg21 : memref<160xf32, #tpu.memory_space<vmem>>)
    %dma_wait3A_23 = arith.constant 0 : i32
    %dma_wait3A_24 = tpu.memref_slice %arg7[%dma_wait3A_23] : memref<20000xf32, #tpu.memory_space<hbm>> -> memref<20000xf32, #tpu.memory_space<hbm>>
    tpu.wait_indirect_dma semaphore(%arg25 : memref<!tpu.dma_semaphore, #tpu.memory_space<semaphore_mem>>) src(%dma_wait3A_24 : memref<20000xf32, #tpu.memory_space<hbm>>) dst(%arg22 : memref<160xf32, #tpu.memory_space<vmem>>)
    %dma_wait3A_25 = arith.constant 0 : i32
    %dma_wait3A_26 = tpu.memref_slice %arg8[%dma_wait3A_25] : memref<20000xf32, #tpu.memory_space<hbm>> -> memref<20000xf32, #tpu.memory_space<hbm>>
    tpu.wait_indirect_dma semaphore(%arg25 : memref<!tpu.dma_semaphore, #tpu.memory_space<semaphore_mem>>) src(%dma_wait3A_26 : memref<20000xf32, #tpu.memory_space<hbm>>) dst(%arg23 : memref<160xf32, #tpu.memory_space<vmem>>)
    %dma_wait3A_27 = arith.constant 0 : i32
    %dma_wait3A_28 = tpu.memref_slice %arg9[%dma_wait3A_27] : memref<20000xf32, #tpu.memory_space<hbm>> -> memref<20000xf32, #tpu.memory_space<hbm>>
    tpu.wait_indirect_dma semaphore(%arg25 : memref<!tpu.dma_semaphore, #tpu.memory_space<semaphore_mem>>) src(%dma_wait3A_28 : memref<20000xf32, #tpu.memory_space<hbm>>) dst(%arg24 : memref<160xf32, #tpu.memory_space<vmem>>)
    "tpu.region"() ({
      %run_scoped3A = tpu.sem_alloc : memref<!tpu.dma_semaphore, #tpu.memory_space<semaphore_mem>>
      %dma_start3A_29 = tpu.memref_slice %arg10[%mul3A_2] : memref<5120xf32, #tpu.memory_space<hbm>> -> memref<160xf32, #tpu.memory_space<hbm>>
      %dma_start3A_30 = tpu.memref_slice %arg10[%mul3A_2] : memref<5120xf32, #tpu.memory_space<hbm>> -> memref<160xf32, #tpu.memory_space<hbm>>
      tpu.enqueue_dma source(%arg18 : memref<160xf32, #tpu.memory_space<vmem>>) target(%dma_start3A_30 : memref<160xf32, #tpu.memory_space<hbm>>) target_semaphore(%run_scoped3A : memref<!tpu.dma_semaphore, #tpu.memory_space<semaphore_mem>>)
      %dma_wait3A_31 = tpu.memref_slice %arg10[%mul3A_2] : memref<5120xf32, #tpu.memory_space<hbm>> -> memref<160xf32, #tpu.memory_space<hbm>>
      %dma_wait3A_32 = tpu.memref_slice %arg10[%mul3A_2] : memref<5120xf32, #tpu.memory_space<hbm>> -> memref<160xf32, #tpu.memory_space<hbm>>
      tpu.wait_dma2 semaphore(%run_scoped3A : memref<!tpu.dma_semaphore, #tpu.memory_space<semaphore_mem>>) src(%arg18 : memref<160xf32, #tpu.memory_space<vmem>>) dst(%dma_wait3A_32 : memref<160xf32, #tpu.memory_space<hbm>>)
      tpu.yield
    }) : () -> ()
    "tpu.region"() ({
      %run_scoped3A = tpu.sem_alloc : memref<!tpu.dma_semaphore, #tpu.memory_space<semaphore_mem>>
      %dma_start3A_29 = tpu.memref_slice %arg11[%mul3A_2] : memref<5120xf32, #tpu.memory_space<hbm>> -> memref<160xf32, #tpu.memory_space<hbm>>
      %dma_start3A_30 = tpu.memref_slice %arg11[%mul3A_2] : memref<5120xf32, #tpu.memory_space<hbm>> -> memref<160xf32, #tpu.memory_space<hbm>>
      tpu.enqueue_dma source(%arg19 : memref<160xf32, #tpu.memory_space<vmem>>) target(%dma_start3A_30 : memref<160xf32, #tpu.memory_space<hbm>>) target_semaphore(%run_scoped3A : memref<!tpu.dma_semaphore, #tpu.memory_space<semaphore_mem>>)
      %dma_wait3A_31 = tpu.memref_slice %arg11[%mul3A_2] : memref<5120xf32, #tpu.memory_space<hbm>> -> memref<160xf32, #tpu.memory_space<hbm>>
      %dma_wait3A_32 = tpu.memref_slice %arg11[%mul3A_2] : memref<5120xf32, #tpu.memory_space<hbm>> -> memref<160xf32, #tpu.memory_space<hbm>>
      tpu.wait_dma2 semaphore(%run_scoped3A : memref<!tpu.dma_semaphore, #tpu.memory_space<semaphore_mem>>) src(%arg19 : memref<160xf32, #tpu.memory_space<vmem>>) dst(%dma_wait3A_32 : memref<160xf32, #tpu.memory_space<hbm>>)
      tpu.yield
    }) : () -> ()
    "tpu.region"() ({
      %run_scoped3A = tpu.sem_alloc : memref<!tpu.dma_semaphore, #tpu.memory_space<semaphore_mem>>
      %dma_start3A_29 = tpu.memref_slice %arg12[%mul3A_2] : memref<5120xf32, #tpu.memory_space<hbm>> -> memref<160xf32, #tpu.memory_space<hbm>>
      %dma_start3A_30 = tpu.memref_slice %arg12[%mul3A_2] : memref<5120xf32, #tpu.memory_space<hbm>> -> memref<160xf32, #tpu.memory_space<hbm>>
      tpu.enqueue_dma source(%arg20 : memref<160xf32, #tpu.memory_space<vmem>>) target(%dma_start3A_30 : memref<160xf32, #tpu.memory_space<hbm>>) target_semaphore(%run_scoped3A : memref<!tpu.dma_semaphore, #tpu.memory_space<semaphore_mem>>)
      %dma_wait3A_31 = tpu.memref_slice %arg12[%mul3A_2] : memref<5120xf32, #tpu.memory_space<hbm>> -> memref<160xf32, #tpu.memory_space<hbm>>
      %dma_wait3A_32 = tpu.memref_slice %arg12[%mul3A_2] : memref<5120xf32, #tpu.memory_space<hbm>> -> memref<160xf32, #tpu.memory_space<hbm>>
      tpu.wait_dma2 semaphore(%run_scoped3A : memref<!tpu.dma_semaphore, #tpu.memory_space<semaphore_mem>>) src(%arg20 : memref<160xf32, #tpu.memory_space<vmem>>) dst(%dma_wait3A_32 : memref<160xf32, #tpu.memory_space<hbm>>)
      tpu.yield
    }) : () -> ()
    "tpu.region"() ({
      %run_scoped3A = tpu.sem_alloc : memref<!tpu.dma_semaphore, #tpu.memory_space<semaphore_mem>>
      %dma_start3A_29 = tpu.memref_slice %arg13[%mul3A_2] : memref<5120xf32, #tpu.memory_space<hbm>> -> memref<160xf32, #tpu.memory_space<hbm>>
      %dma_start3A_30 = tpu.memref_slice %arg13[%mul3A_2] : memref<5120xf32, #tpu.memory_space<hbm>> -> memref<160xf32, #tpu.memory_space<hbm>>
      tpu.enqueue_dma source(%arg21 : memref<160xf32, #tpu.memory_space<vmem>>) target(%dma_start3A_30 : memref<160xf32, #tpu.memory_space<hbm>>) target_semaphore(%run_scoped3A : memref<!tpu.dma_semaphore, #tpu.memory_space<semaphore_mem>>)
      %dma_wait3A_31 = tpu.memref_slice %arg13[%mul3A_2] : memref<5120xf32, #tpu.memory_space<hbm>> -> memref<160xf32, #tpu.memory_space<hbm>>
      %dma_wait3A_32 = tpu.memref_slice %arg13[%mul3A_2] : memref<5120xf32, #tpu.memory_space<hbm>> -> memref<160xf32, #tpu.memory_space<hbm>>
      tpu.wait_dma2 semaphore(%run_scoped3A : memref<!tpu.dma_semaphore, #tpu.memory_space<semaphore_mem>>) src(%arg21 : memref<160xf32, #tpu.memory_space<vmem>>) dst(%dma_wait3A_32 : memref<160xf32, #tpu.memory_space<hbm>>)
      tpu.yield
    }) : () -> ()
    "tpu.region"() ({
      %run_scoped3A = tpu.sem_alloc : memref<!tpu.dma_semaphore, #tpu.memory_space<semaphore_mem>>
      %dma_start3A_29 = tpu.memref_slice %arg14[%mul3A_2] : memref<5120xf32, #tpu.memory_space<hbm>> -> memref<160xf32, #tpu.memory_space<hbm>>
      %dma_start3A_30 = tpu.memref_slice %arg14[%mul3A_2] : memref<5120xf32, #tpu.memory_space<hbm>> -> memref<160xf32, #tpu.memory_space<hbm>>
      tpu.enqueue_dma source(%arg22 : memref<160xf32, #tpu.memory_space<vmem>>) target(%dma_start3A_30 : memref<160xf32, #tpu.memory_space<hbm>>) target_semaphore(%run_scoped3A : memref<!tpu.dma_semaphore, #tpu.memory_space<semaphore_mem>>)
      %dma_wait3A_31 = tpu.memref_slice %arg14[%mul3A_2] : memref<5120xf32, #tpu.memory_space<hbm>> -> memref<160xf32, #tpu.memory_space<hbm>>
      %dma_wait3A_32 = tpu.memref_slice %arg14[%mul3A_2] : memref<5120xf32, #tpu.memory_space<hbm>> -> memref<160xf32, #tpu.memory_space<hbm>>
      tpu.wait_dma2 semaphore(%run_scoped3A : memref<!tpu.dma_semaphore, #tpu.memory_space<semaphore_mem>>) src(%arg22 : memref<160xf32, #tpu.memory_space<vmem>>) dst(%dma_wait3A_32 : memref<160xf32, #tpu.memory_space<hbm>>)
      tpu.yield
    }) : () -> ()
    "tpu.region"() ({
      %run_scoped3A = tpu.sem_alloc : memref<!tpu.dma_semaphore, #tpu.memory_space<semaphore_mem>>
      %dma_start3A_29 = tpu.memref_slice %arg15[%mul3A_2] : memref<5120xf32, #tpu.memory_space<hbm>> -> memref<160xf32, #tpu.memory_space<hbm>>
      %dma_start3A_30 = tpu.memref_slice %arg15[%mul3A_2] : memref<5120xf32, #tpu.memory_space<hbm>> -> memref<160xf32, #tpu.memory_space<hbm>>
      tpu.enqueue_dma source(%arg23 : memref<160xf32, #tpu.memory_space<vmem>>) target(%dma_start3A_30 : memref<160xf32, #tpu.memory_space<hbm>>) target_semaphore(%run_scoped3A : memref<!tpu.dma_semaphore, #tpu.memory_space<semaphore_mem>>)
      %dma_wait3A_31 = tpu.memref_slice %arg15[%mul3A_2] : memref<5120xf32, #tpu.memory_space<hbm>> -> memref<160xf32, #tpu.memory_space<hbm>>
      %dma_wait3A_32 = tpu.memref_slice %arg15[%mul3A_2] : memref<5120xf32, #tpu.memory_space<hbm>> -> memref<160xf32, #tpu.memory_space<hbm>>
      tpu.wait_dma2 semaphore(%run_scoped3A : memref<!tpu.dma_semaphore, #tpu.memory_space<semaphore_mem>>) src(%arg23 : memref<160xf32, #tpu.memory_space<vmem>>) dst(%dma_wait3A_32 : memref<160xf32, #tpu.memory_space<hbm>>)
      tpu.yield
    }) : () -> ()
    "tpu.region"() ({
      %run_scoped3A = tpu.sem_alloc : memref<!tpu.dma_semaphore, #tpu.memory_space<semaphore_mem>>
      %dma_start3A_29 = tpu.memref_slice %arg16[%mul3A_2] : memref<5120xf32, #tpu.memory_space<hbm>> -> memref<160xf32, #tpu.memory_space<hbm>>
      %dma_start3A_30 = tpu.memref_slice %arg16[%mul3A_2] : memref<5120xf32, #tpu.memory_space<hbm>> -> memref<160xf32, #tpu.memory_space<hbm>>
      tpu.enqueue_dma source(%arg24 : memref<160xf32, #tpu.memory_space<vmem>>) target(%dma_start3A_30 : memref<160xf32, #tpu.memory_space<hbm>>) target_semaphore(%run_scoped3A : memref<!tpu.dma_semaphore, #tpu.memory_space<semaphore_mem>>)
      %dma_wait3A_31 = tpu.memref_slice %arg16[%mul3A_2] : memref<5120xf32, #tpu.memory_space<hbm>> -> memref<160xf32, #tpu.memory_space<hbm>>
      %dma_wait3A_32 = tpu.memref_slice %arg16[%mul3A_2] : memref<5120xf32, #tpu.memory_space<hbm>> -> memref<160xf32, #tpu.memory_space<hbm>>
      tpu.wait_dma2 semaphore(%run_scoped3A : memref<!tpu.dma_semaphore, #tpu.memory_space<semaphore_mem>>) src(%arg24 : memref<160xf32, #tpu.memory_space<vmem>>) dst(%dma_wait3A_32 : memref<160xf32, #tpu.memory_space<hbm>>)
      tpu.yield
    }) : () -> ()
    return
  }
}

module attributes {stable_mosaic.version = 14 : i64} {
  func.func @_nms_body(%arg0: i32, %arg1: memref<1x5120xf32, #tpu.memory_space<vmem>>, %arg2: memref<1x5120xf32, #tpu.memory_space<vmem>>, %arg3: memref<1x5120xf32, #tpu.memory_space<vmem>>, %arg4: memref<1x5120xf32, #tpu.memory_space<vmem>>, %arg5: memref<1x5120xf32, #tpu.memory_space<vmem>>, %arg6: memref<1x5120xf32, #tpu.memory_space<vmem>>, %arg7: memref<1x5120xf32, #tpu.memory_space<vmem>>, %arg8: memref<1280x8xf32, #tpu.memory_space<vmem>>) attributes {dimension_semantics = [#tpu.dimension_semantics<arbitrary>], iteration_bounds = array<i64: 4>, scalar_prefetch = 0 : i64, scratch_operands = 0 : i64, tpu.core_type = #tpu.core_type<tc>, window_params = [{pipeline_mode = #tpu.pipeline_mode<synchronous>, transform_indices = @transform_0, window_bounds = array<i64: 1, 5120>}, {pipeline_mode = #tpu.pipeline_mode<synchronous>, transform_indices = @transform_1, window_bounds = array<i64: 1, 5120>}, {pipeline_mode = #tpu.pipeline_mode<synchronous>, transform_indices = @transform_2, window_bounds = array<i64: 1, 5120>}, {pipeline_mode = #tpu.pipeline_mode<synchronous>, transform_indices = @transform_3, window_bounds = array<i64: 1, 5120>}, {pipeline_mode = #tpu.pipeline_mode<synchronous>, transform_indices = @transform_4, window_bounds = array<i64: 1, 5120>}, {pipeline_mode = #tpu.pipeline_mode<synchronous>, transform_indices = @transform_5, window_bounds = array<i64: 1, 5120>}, {pipeline_mode = #tpu.pipeline_mode<synchronous>, transform_indices = @transform_6, window_bounds = array<i64: 1, 5120>}, {transform_indices = @transform_7, window_bounds = array<i64: 1280, 8>}]} {
    %mul3A = arith.constant 1280 : i32
    %mul3A_0 = arith.muli %arg0, %mul3A : i32
    %get3A = arith.constant 0 : index
    %get3A_1 = arith.index_cast %mul3A_0 : i32 to index
    %get3A_2 = vector.load %arg1[%get3A, %get3A_1] : memref<1x5120xf32, #tpu.memory_space<vmem>>, vector<1x1280xf32>
    %transpose3A = tpu.transpose %get3A_2, [1, 0] : vector<1x1280xf32> -> vector<1280x1xf32>
    %get3A_3 = arith.constant 0 : index
    %get3A_4 = arith.index_cast %mul3A_0 : i32 to index
    %get3A_5 = vector.load %arg2[%get3A_3, %get3A_4] : memref<1x5120xf32, #tpu.memory_space<vmem>>, vector<1x1280xf32>
    %transpose3A_6 = tpu.transpose %get3A_5, [1, 0] : vector<1x1280xf32> -> vector<1280x1xf32>
    %get3A_7 = arith.constant 0 : index
    %get3A_8 = arith.index_cast %mul3A_0 : i32 to index
    %get3A_9 = vector.load %arg4[%get3A_7, %get3A_8] : memref<1x5120xf32, #tpu.memory_space<vmem>>, vector<1x1280xf32>
    %transpose3A_10 = tpu.transpose %get3A_9, [1, 0] : vector<1x1280xf32> -> vector<1280x1xf32>
    %get3A_11 = arith.constant 0 : index
    %get3A_12 = arith.index_cast %mul3A_0 : i32 to index
    %get3A_13 = vector.load %arg5[%get3A_11, %get3A_12] : memref<1x5120xf32, #tpu.memory_space<vmem>>, vector<1x1280xf32>
    %transpose3A_14 = tpu.transpose %get3A_13, [1, 0] : vector<1x1280xf32> -> vector<1280x1xf32>
    %mul3A_15 = arith.constant 5.000000e-01 : f32
    %mul3A_16 = vector.broadcast %mul3A_15 : f32 to vector<1280x1xf32>
    %mul3A_17 = arith.mulf %transpose3A_10, %mul3A_16 : vector<1280x1xf32>
    %sub3A = arith.subf %transpose3A, %mul3A_17 : vector<1280x1xf32>
    %mul3A_18 = arith.constant 5.000000e-01 : f32
    %mul3A_19 = vector.broadcast %mul3A_18 : f32 to vector<1280x1xf32>
    %mul3A_20 = arith.mulf %transpose3A_10, %mul3A_19 : vector<1280x1xf32>
    %add3A = arith.addf %transpose3A, %mul3A_20 : vector<1280x1xf32>
    %mul3A_21 = arith.constant 5.000000e-01 : f32
    %mul3A_22 = vector.broadcast %mul3A_21 : f32 to vector<1280x1xf32>
    %mul3A_23 = arith.mulf %transpose3A_14, %mul3A_22 : vector<1280x1xf32>
    %sub3A_24 = arith.subf %transpose3A_6, %mul3A_23 : vector<1280x1xf32>
    %mul3A_25 = arith.constant 5.000000e-01 : f32
    %mul3A_26 = vector.broadcast %mul3A_25 : f32 to vector<1280x1xf32>
    %mul3A_27 = arith.mulf %transpose3A_14, %mul3A_26 : vector<1280x1xf32>
    %add3A_28 = arith.addf %transpose3A_6, %mul3A_27 : vector<1280x1xf32>
    %mul3A_29 = arith.mulf %transpose3A_10, %transpose3A_14 : vector<1280x1xf32>
    %mul3A_30 = arith.constant 0.333333343 : f32
    %mul3A_31 = vector.broadcast %mul3A_30 : f32 to vector<1280x1xf32>
    %mul3A_32 = arith.mulf %mul3A_29, %mul3A_31 : vector<1280x1xf32>
    %broadcast_in_dim3A = arith.constant -1.000000e+00 : f32
    %broadcast_in_dim3A_33 = vector.broadcast %broadcast_in_dim3A : f32 to vector<1280x128xf32>
    %while3A = arith.constant 0 : i32
    %while3A_34 = arith.subi %arg0, %while3A : i32
    %while3A_35 = arith.addi %while3A, %while3A_34 : i32
    %while3A_36 = arith.constant 1 : i32
    %while3A_37 = arith.divsi %while3A_34, %while3A_36 : i32
    %while3A_38 = arith.muli %while3A_37, %while3A_36 : i32
    %while3A_39 = arith.addi %while3A, %while3A_38 : i32
    %while3A_40 = arith.constant 1 : i32
    %while3A_41 = scf.for %while3A_286 = %while3A to %while3A_39 step %while3A_40 iter_args(%while3A_287 = %broadcast_in_dim3A_33) -> (vector<1280x128xf32>)  : i32 {
      %mul3A_288 = arith.constant 1280 : i32
      %mul3A_289 = arith.muli %while3A_286, %mul3A_288 : i32
      %get3A_290 = arith.constant 0 : index
      %get3A_291 = arith.index_cast %mul3A_289 : i32 to index
      %get3A_292 = vector.load %arg1[%get3A_290, %get3A_291] : memref<1x5120xf32, #tpu.memory_space<vmem>>, vector<1x1280xf32>
      %get3A_293 = arith.constant 0 : index
      %get3A_294 = arith.index_cast %mul3A_289 : i32 to index
      %get3A_295 = vector.load %arg2[%get3A_293, %get3A_294] : memref<1x5120xf32, #tpu.memory_space<vmem>>, vector<1x1280xf32>
      %get3A_296 = arith.constant 0 : index
      %get3A_297 = arith.index_cast %mul3A_289 : i32 to index
      %get3A_298 = vector.load %arg4[%get3A_296, %get3A_297] : memref<1x5120xf32, #tpu.memory_space<vmem>>, vector<1x1280xf32>
      %get3A_299 = arith.constant 0 : index
      %get3A_300 = arith.index_cast %mul3A_289 : i32 to index
      %get3A_301 = vector.load %arg5[%get3A_299, %get3A_300] : memref<1x5120xf32, #tpu.memory_space<vmem>>, vector<1x1280xf32>
      %mul3A_302 = arith.constant 5.000000e-01 : f32
      %mul3A_303 = vector.broadcast %mul3A_302 : f32 to vector<1x1280xf32>
      %mul3A_304 = arith.mulf %get3A_298, %mul3A_303 : vector<1x1280xf32>
      %sub3A_305 = arith.subf %get3A_292, %mul3A_304 : vector<1x1280xf32>
      %mul3A_306 = arith.constant 5.000000e-01 : f32
      %mul3A_307 = vector.broadcast %mul3A_306 : f32 to vector<1x1280xf32>
      %mul3A_308 = arith.mulf %get3A_298, %mul3A_307 : vector<1x1280xf32>
      %add3A_309 = arith.addf %get3A_292, %mul3A_308 : vector<1x1280xf32>
      %mul3A_310 = arith.constant 5.000000e-01 : f32
      %mul3A_311 = vector.broadcast %mul3A_310 : f32 to vector<1x1280xf32>
      %mul3A_312 = arith.mulf %get3A_301, %mul3A_311 : vector<1x1280xf32>
      %sub3A_313 = arith.subf %get3A_295, %mul3A_312 : vector<1x1280xf32>
      %mul3A_314 = arith.constant 5.000000e-01 : f32
      %mul3A_315 = vector.broadcast %mul3A_314 : f32 to vector<1x1280xf32>
      %mul3A_316 = arith.mulf %get3A_301, %mul3A_315 : vector<1x1280xf32>
      %add3A_317 = arith.addf %get3A_295, %mul3A_316 : vector<1x1280xf32>
      %mul3A_318 = arith.mulf %get3A_298, %get3A_301 : vector<1x1280xf32>
      %mul3A_319 = arith.constant 0.333333343 : f32
      %mul3A_320 = vector.broadcast %mul3A_319 : f32 to vector<1x1280xf32>
      %mul3A_321 = arith.mulf %mul3A_318, %mul3A_320 : vector<1x1280xf32>
      %min3A_322 = vector.broadcast %add3A : vector<1280x1xf32> to vector<1280x1280xf32>
      %min3A_323 = vector.broadcast %add3A_309 : vector<1x1280xf32> to vector<1280x1280xf32>
      %min3A_324 = arith.minimumf %min3A_322, %min3A_323 : vector<1280x1280xf32>
      %max3A_325 = vector.broadcast %sub3A : vector<1280x1xf32> to vector<1280x1280xf32>
      %max3A_326 = vector.broadcast %sub3A_305 : vector<1x1280xf32> to vector<1280x1280xf32>
      %max3A_327 = arith.maximumf %max3A_325, %max3A_326 : vector<1280x1280xf32>
      %sub3A_328 = arith.subf %min3A_324, %max3A_327 : vector<1280x1280xf32>
      %min3A_329 = vector.broadcast %add3A_28 : vector<1280x1xf32> to vector<1280x1280xf32>
      %min3A_330 = vector.broadcast %add3A_317 : vector<1x1280xf32> to vector<1280x1280xf32>
      %min3A_331 = arith.minimumf %min3A_329, %min3A_330 : vector<1280x1280xf32>
      %max3A_332 = vector.broadcast %sub3A_24 : vector<1280x1xf32> to vector<1280x1280xf32>
      %max3A_333 = vector.broadcast %sub3A_313 : vector<1x1280xf32> to vector<1280x1280xf32>
      %max3A_334 = arith.maximumf %max3A_332, %max3A_333 : vector<1280x1280xf32>
      %sub3A_335 = arith.subf %min3A_331, %max3A_334 : vector<1280x1280xf32>
      %max3A_336 = arith.constant 0.000000e+00 : f32
      %max3A_337 = vector.broadcast %max3A_336 : f32 to vector<1280x1280xf32>
      %max3A_338 = arith.maximumf %sub3A_335, %max3A_337 : vector<1280x1280xf32>
      %mul3A_339 = arith.mulf %sub3A_328, %max3A_338 : vector<1280x1280xf32>
      %add3A_340 = vector.broadcast %mul3A_32 : vector<1280x1xf32> to vector<1280x1280xf32>
      %add3A_341 = vector.broadcast %mul3A_321 : vector<1x1280xf32> to vector<1280x1280xf32>
      %add3A_342 = arith.addf %add3A_340, %add3A_341 : vector<1280x1280xf32>
      %sub3A_343 = arith.subf %mul3A_339, %add3A_342 : vector<1280x1280xf32>
      %slice3A_344 = vector.extract_strided_slice %sub3A_343 {offsets = [0, 0], sizes = [1280, 128], strides = [1, 1]} : vector<1280x1280xf32> to vector<1280x128xf32>
      %slice3A_345 = vector.extract_strided_slice %sub3A_343 {offsets = [0, 128], sizes = [1280, 128], strides = [1, 1]} : vector<1280x1280xf32> to vector<1280x128xf32>
      %max3A_346 = arith.maximumf %slice3A_344, %slice3A_345 : vector<1280x128xf32>
      %slice3A_347 = vector.extract_strided_slice %sub3A_343 {offsets = [0, 256], sizes = [1280, 128], strides = [1, 1]} : vector<1280x1280xf32> to vector<1280x128xf32>
      %max3A_348 = arith.maximumf %max3A_346, %slice3A_347 : vector<1280x128xf32>
      %slice3A_349 = vector.extract_strided_slice %sub3A_343 {offsets = [0, 384], sizes = [1280, 128], strides = [1, 1]} : vector<1280x1280xf32> to vector<1280x128xf32>
      %max3A_350 = arith.maximumf %max3A_348, %slice3A_349 : vector<1280x128xf32>
      %slice3A_351 = vector.extract_strided_slice %sub3A_343 {offsets = [0, 512], sizes = [1280, 128], strides = [1, 1]} : vector<1280x1280xf32> to vector<1280x128xf32>
      %max3A_352 = arith.maximumf %max3A_350, %slice3A_351 : vector<1280x128xf32>
      %slice3A_353 = vector.extract_strided_slice %sub3A_343 {offsets = [0, 640], sizes = [1280, 128], strides = [1, 1]} : vector<1280x1280xf32> to vector<1280x128xf32>
      %max3A_354 = arith.maximumf %max3A_352, %slice3A_353 : vector<1280x128xf32>
      %slice3A_355 = vector.extract_strided_slice %sub3A_343 {offsets = [0, 768], sizes = [1280, 128], strides = [1, 1]} : vector<1280x1280xf32> to vector<1280x128xf32>
      %max3A_356 = arith.maximumf %max3A_354, %slice3A_355 : vector<1280x128xf32>
      %slice3A_357 = vector.extract_strided_slice %sub3A_343 {offsets = [0, 896], sizes = [1280, 128], strides = [1, 1]} : vector<1280x1280xf32> to vector<1280x128xf32>
      %max3A_358 = arith.maximumf %max3A_356, %slice3A_357 : vector<1280x128xf32>
      %slice3A_359 = vector.extract_strided_slice %sub3A_343 {offsets = [0, 1024], sizes = [1280, 128], strides = [1, 1]} : vector<1280x1280xf32> to vector<1280x128xf32>
      %max3A_360 = arith.maximumf %max3A_358, %slice3A_359 : vector<1280x128xf32>
      %slice3A_361 = vector.extract_strided_slice %sub3A_343 {offsets = [0, 1152], sizes = [1280, 128], strides = [1, 1]} : vector<1280x1280xf32> to vector<1280x128xf32>
      %max3A_362 = arith.maximumf %max3A_360, %slice3A_361 : vector<1280x128xf32>
      %max3A_363 = arith.maximumf %while3A_287, %max3A_362 : vector<1280x128xf32>
      scf.yield %max3A_363 : vector<1280x128xf32>
    }
    %while3A_42 = arith.constant 1 : i32
    %while3A_43 = scf.for %while3A_286 = %while3A_39 to %while3A_35 step %while3A_42 iter_args(%while3A_287 = %while3A_41) -> (vector<1280x128xf32>)  : i32 {
      %mul3A_288 = arith.constant 1280 : i32
      %mul3A_289 = arith.muli %while3A_286, %mul3A_288 : i32
      %get3A_290 = arith.constant 0 : index
      %get3A_291 = arith.index_cast %mul3A_289 : i32 to index
      %get3A_292 = vector.load %arg1[%get3A_290, %get3A_291] : memref<1x5120xf32, #tpu.memory_space<vmem>>, vector<1x1280xf32>
      %get3A_293 = arith.constant 0 : index
      %get3A_294 = arith.index_cast %mul3A_289 : i32 to index
      %get3A_295 = vector.load %arg2[%get3A_293, %get3A_294] : memref<1x5120xf32, #tpu.memory_space<vmem>>, vector<1x1280xf32>
      %get3A_296 = arith.constant 0 : index
      %get3A_297 = arith.index_cast %mul3A_289 : i32 to index
      %get3A_298 = vector.load %arg4[%get3A_296, %get3A_297] : memref<1x5120xf32, #tpu.memory_space<vmem>>, vector<1x1280xf32>
      %get3A_299 = arith.constant 0 : index
      %get3A_300 = arith.index_cast %mul3A_289 : i32 to index
      %get3A_301 = vector.load %arg5[%get3A_299, %get3A_300] : memref<1x5120xf32, #tpu.memory_space<vmem>>, vector<1x1280xf32>
      %mul3A_302 = arith.constant 5.000000e-01 : f32
      %mul3A_303 = vector.broadcast %mul3A_302 : f32 to vector<1x1280xf32>
      %mul3A_304 = arith.mulf %get3A_298, %mul3A_303 : vector<1x1280xf32>
      %sub3A_305 = arith.subf %get3A_292, %mul3A_304 : vector<1x1280xf32>
      %mul3A_306 = arith.constant 5.000000e-01 : f32
      %mul3A_307 = vector.broadcast %mul3A_306 : f32 to vector<1x1280xf32>
      %mul3A_308 = arith.mulf %get3A_298, %mul3A_307 : vector<1x1280xf32>
      %add3A_309 = arith.addf %get3A_292, %mul3A_308 : vector<1x1280xf32>
      %mul3A_310 = arith.constant 5.000000e-01 : f32
      %mul3A_311 = vector.broadcast %mul3A_310 : f32 to vector<1x1280xf32>
      %mul3A_312 = arith.mulf %get3A_301, %mul3A_311 : vector<1x1280xf32>
      %sub3A_313 = arith.subf %get3A_295, %mul3A_312 : vector<1x1280xf32>
      %mul3A_314 = arith.constant 5.000000e-01 : f32
      %mul3A_315 = vector.broadcast %mul3A_314 : f32 to vector<1x1280xf32>
      %mul3A_316 = arith.mulf %get3A_301, %mul3A_315 : vector<1x1280xf32>
      %add3A_317 = arith.addf %get3A_295, %mul3A_316 : vector<1x1280xf32>
      %mul3A_318 = arith.mulf %get3A_298, %get3A_301 : vector<1x1280xf32>
      %mul3A_319 = arith.constant 0.333333343 : f32
      %mul3A_320 = vector.broadcast %mul3A_319 : f32 to vector<1x1280xf32>
      %mul3A_321 = arith.mulf %mul3A_318, %mul3A_320 : vector<1x1280xf32>
      %min3A_322 = vector.broadcast %add3A : vector<1280x1xf32> to vector<1280x1280xf32>
      %min3A_323 = vector.broadcast %add3A_309 : vector<1x1280xf32> to vector<1280x1280xf32>
      %min3A_324 = arith.minimumf %min3A_322, %min3A_323 : vector<1280x1280xf32>
      %max3A_325 = vector.broadcast %sub3A : vector<1280x1xf32> to vector<1280x1280xf32>
      %max3A_326 = vector.broadcast %sub3A_305 : vector<1x1280xf32> to vector<1280x1280xf32>
      %max3A_327 = arith.maximumf %max3A_325, %max3A_326 : vector<1280x1280xf32>
      %sub3A_328 = arith.subf %min3A_324, %max3A_327 : vector<1280x1280xf32>
      %min3A_329 = vector.broadcast %add3A_28 : vector<1280x1xf32> to vector<1280x1280xf32>
      %min3A_330 = vector.broadcast %add3A_317 : vector<1x1280xf32> to vector<1280x1280xf32>
      %min3A_331 = arith.minimumf %min3A_329, %min3A_330 : vector<1280x1280xf32>
      %max3A_332 = vector.broadcast %sub3A_24 : vector<1280x1xf32> to vector<1280x1280xf32>
      %max3A_333 = vector.broadcast %sub3A_313 : vector<1x1280xf32> to vector<1280x1280xf32>
      %max3A_334 = arith.maximumf %max3A_332, %max3A_333 : vector<1280x1280xf32>
      %sub3A_335 = arith.subf %min3A_331, %max3A_334 : vector<1280x1280xf32>
      %max3A_336 = arith.constant 0.000000e+00 : f32
      %max3A_337 = vector.broadcast %max3A_336 : f32 to vector<1280x1280xf32>
      %max3A_338 = arith.maximumf %sub3A_335, %max3A_337 : vector<1280x1280xf32>
      %mul3A_339 = arith.mulf %sub3A_328, %max3A_338 : vector<1280x1280xf32>
      %add3A_340 = vector.broadcast %mul3A_32 : vector<1280x1xf32> to vector<1280x1280xf32>
      %add3A_341 = vector.broadcast %mul3A_321 : vector<1x1280xf32> to vector<1280x1280xf32>
      %add3A_342 = arith.addf %add3A_340, %add3A_341 : vector<1280x1280xf32>
      %sub3A_343 = arith.subf %mul3A_339, %add3A_342 : vector<1280x1280xf32>
      %slice3A_344 = vector.extract_strided_slice %sub3A_343 {offsets = [0, 0], sizes = [1280, 128], strides = [1, 1]} : vector<1280x1280xf32> to vector<1280x128xf32>
      %slice3A_345 = vector.extract_strided_slice %sub3A_343 {offsets = [0, 128], sizes = [1280, 128], strides = [1, 1]} : vector<1280x1280xf32> to vector<1280x128xf32>
      %max3A_346 = arith.maximumf %slice3A_344, %slice3A_345 : vector<1280x128xf32>
      %slice3A_347 = vector.extract_strided_slice %sub3A_343 {offsets = [0, 256], sizes = [1280, 128], strides = [1, 1]} : vector<1280x1280xf32> to vector<1280x128xf32>
      %max3A_348 = arith.maximumf %max3A_346, %slice3A_347 : vector<1280x128xf32>
      %slice3A_349 = vector.extract_strided_slice %sub3A_343 {offsets = [0, 384], sizes = [1280, 128], strides = [1, 1]} : vector<1280x1280xf32> to vector<1280x128xf32>
      %max3A_350 = arith.maximumf %max3A_348, %slice3A_349 : vector<1280x128xf32>
      %slice3A_351 = vector.extract_strided_slice %sub3A_343 {offsets = [0, 512], sizes = [1280, 128], strides = [1, 1]} : vector<1280x1280xf32> to vector<1280x128xf32>
      %max3A_352 = arith.maximumf %max3A_350, %slice3A_351 : vector<1280x128xf32>
      %slice3A_353 = vector.extract_strided_slice %sub3A_343 {offsets = [0, 640], sizes = [1280, 128], strides = [1, 1]} : vector<1280x1280xf32> to vector<1280x128xf32>
      %max3A_354 = arith.maximumf %max3A_352, %slice3A_353 : vector<1280x128xf32>
      %slice3A_355 = vector.extract_strided_slice %sub3A_343 {offsets = [0, 768], sizes = [1280, 128], strides = [1, 1]} : vector<1280x1280xf32> to vector<1280x128xf32>
      %max3A_356 = arith.maximumf %max3A_354, %slice3A_355 : vector<1280x128xf32>
      %slice3A_357 = vector.extract_strided_slice %sub3A_343 {offsets = [0, 896], sizes = [1280, 128], strides = [1, 1]} : vector<1280x1280xf32> to vector<1280x128xf32>
      %max3A_358 = arith.maximumf %max3A_356, %slice3A_357 : vector<1280x128xf32>
      %slice3A_359 = vector.extract_strided_slice %sub3A_343 {offsets = [0, 1024], sizes = [1280, 128], strides = [1, 1]} : vector<1280x1280xf32> to vector<1280x128xf32>
      %max3A_360 = arith.maximumf %max3A_358, %slice3A_359 : vector<1280x128xf32>
      %slice3A_361 = vector.extract_strided_slice %sub3A_343 {offsets = [0, 1152], sizes = [1280, 128], strides = [1, 1]} : vector<1280x1280xf32> to vector<1280x128xf32>
      %max3A_362 = arith.maximumf %max3A_360, %slice3A_361 : vector<1280x128xf32>
      %max3A_363 = arith.maximumf %while3A_287, %max3A_362 : vector<1280x128xf32>
      scf.yield %max3A_363 : vector<1280x128xf32>
    }
    %iota3A = tpu.iota {dimensions = array<i32: 0>} : vector<640x1xi32>
    %iota3A_44 = tpu.iota {dimensions = array<i32: 1>} : vector<1x640xi32>
    %lt3A = vector.broadcast %iota3A_44 : vector<1x640xi32> to vector<640x640xi32>
    %lt3A_45 = vector.broadcast %iota3A : vector<640x1xi32> to vector<640x640xi32>
    %lt3A_46 = arith.cmpi slt, %lt3A, %lt3A_45 : vector<640x640xi32>
    %mul3A_47 = arith.constant 1280 : i32
    %mul3A_48 = arith.muli %arg0, %mul3A_47 : i32
    %get3A_49 = arith.constant 0 : index
    %get3A_50 = arith.index_cast %mul3A_48 : i32 to index
    %get3A_51 = vector.load %arg1[%get3A_49, %get3A_50] : memref<1x5120xf32, #tpu.memory_space<vmem>>, vector<1x640xf32>
    %get3A_52 = arith.constant 0 : index
    %get3A_53 = arith.index_cast %mul3A_48 : i32 to index
    %get3A_54 = vector.load %arg2[%get3A_52, %get3A_53] : memref<1x5120xf32, #tpu.memory_space<vmem>>, vector<1x640xf32>
    %get3A_55 = arith.constant 0 : index
    %get3A_56 = arith.index_cast %mul3A_48 : i32 to index
    %get3A_57 = vector.load %arg4[%get3A_55, %get3A_56] : memref<1x5120xf32, #tpu.memory_space<vmem>>, vector<1x640xf32>
    %get3A_58 = arith.constant 0 : index
    %get3A_59 = arith.index_cast %mul3A_48 : i32 to index
    %get3A_60 = vector.load %arg5[%get3A_58, %get3A_59] : memref<1x5120xf32, #tpu.memory_space<vmem>>, vector<1x640xf32>
    %mul3A_61 = arith.constant 5.000000e-01 : f32
    %mul3A_62 = vector.broadcast %mul3A_61 : f32 to vector<1x640xf32>
    %mul3A_63 = arith.mulf %get3A_57, %mul3A_62 : vector<1x640xf32>
    %sub3A_64 = arith.subf %get3A_51, %mul3A_63 : vector<1x640xf32>
    %mul3A_65 = arith.constant 5.000000e-01 : f32
    %mul3A_66 = vector.broadcast %mul3A_65 : f32 to vector<1x640xf32>
    %mul3A_67 = arith.mulf %get3A_57, %mul3A_66 : vector<1x640xf32>
    %add3A_68 = arith.addf %get3A_51, %mul3A_67 : vector<1x640xf32>
    %mul3A_69 = arith.constant 5.000000e-01 : f32
    %mul3A_70 = vector.broadcast %mul3A_69 : f32 to vector<1x640xf32>
    %mul3A_71 = arith.mulf %get3A_60, %mul3A_70 : vector<1x640xf32>
    %sub3A_72 = arith.subf %get3A_54, %mul3A_71 : vector<1x640xf32>
    %mul3A_73 = arith.constant 5.000000e-01 : f32
    %mul3A_74 = vector.broadcast %mul3A_73 : f32 to vector<1x640xf32>
    %mul3A_75 = arith.mulf %get3A_60, %mul3A_74 : vector<1x640xf32>
    %add3A_76 = arith.addf %get3A_54, %mul3A_75 : vector<1x640xf32>
    %mul3A_77 = arith.mulf %get3A_57, %get3A_60 : vector<1x640xf32>
    %mul3A_78 = arith.constant 0.333333343 : f32
    %mul3A_79 = vector.broadcast %mul3A_78 : f32 to vector<1x640xf32>
    %mul3A_80 = arith.mulf %mul3A_77, %mul3A_79 : vector<1x640xf32>
    %slice3A = vector.extract_strided_slice %add3A {offsets = [0, 0], sizes = [640, 1], strides = [1, 1]} : vector<1280x1xf32> to vector<640x1xf32>
    %min3A = vector.broadcast %slice3A : vector<640x1xf32> to vector<640x640xf32>
    %min3A_81 = vector.broadcast %add3A_68 : vector<1x640xf32> to vector<640x640xf32>
    %min3A_82 = arith.minimumf %min3A, %min3A_81 : vector<640x640xf32>
    %slice3A_83 = vector.extract_strided_slice %sub3A {offsets = [0, 0], sizes = [640, 1], strides = [1, 1]} : vector<1280x1xf32> to vector<640x1xf32>
    %max3A = vector.broadcast %slice3A_83 : vector<640x1xf32> to vector<640x640xf32>
    %max3A_84 = vector.broadcast %sub3A_64 : vector<1x640xf32> to vector<640x640xf32>
    %max3A_85 = arith.maximumf %max3A, %max3A_84 : vector<640x640xf32>
    %sub3A_86 = arith.subf %min3A_82, %max3A_85 : vector<640x640xf32>
    %slice3A_87 = vector.extract_strided_slice %add3A_28 {offsets = [0, 0], sizes = [640, 1], strides = [1, 1]} : vector<1280x1xf32> to vector<640x1xf32>
    %min3A_88 = vector.broadcast %slice3A_87 : vector<640x1xf32> to vector<640x640xf32>
    %min3A_89 = vector.broadcast %add3A_76 : vector<1x640xf32> to vector<640x640xf32>
    %min3A_90 = arith.minimumf %min3A_88, %min3A_89 : vector<640x640xf32>
    %slice3A_91 = vector.extract_strided_slice %sub3A_24 {offsets = [0, 0], sizes = [640, 1], strides = [1, 1]} : vector<1280x1xf32> to vector<640x1xf32>
    %max3A_92 = vector.broadcast %slice3A_91 : vector<640x1xf32> to vector<640x640xf32>
    %max3A_93 = vector.broadcast %sub3A_72 : vector<1x640xf32> to vector<640x640xf32>
    %max3A_94 = arith.maximumf %max3A_92, %max3A_93 : vector<640x640xf32>
    %sub3A_95 = arith.subf %min3A_90, %max3A_94 : vector<640x640xf32>
    %max3A_96 = arith.constant 0.000000e+00 : f32
    %max3A_97 = vector.broadcast %max3A_96 : f32 to vector<640x640xf32>
    %max3A_98 = arith.maximumf %sub3A_95, %max3A_97 : vector<640x640xf32>
    %mul3A_99 = arith.mulf %sub3A_86, %max3A_98 : vector<640x640xf32>
    %slice3A_100 = vector.extract_strided_slice %mul3A_32 {offsets = [0, 0], sizes = [640, 1], strides = [1, 1]} : vector<1280x1xf32> to vector<640x1xf32>
    %add3A_101 = vector.broadcast %slice3A_100 : vector<640x1xf32> to vector<640x640xf32>
    %add3A_102 = vector.broadcast %mul3A_80 : vector<1x640xf32> to vector<640x640xf32>
    %add3A_103 = arith.addf %add3A_101, %add3A_102 : vector<640x640xf32>
    %sub3A_104 = arith.subf %mul3A_99, %add3A_103 : vector<640x640xf32>
    %jit3A = arith.constant -1.000000e+00 : f32
    %broadcast_in_dim3A_105 = vector.broadcast %jit3A : f32 to vector<640x640xf32>
    %select_n3A = arith.select %lt3A_46, %sub3A_104, %broadcast_in_dim3A_105 : vector<640x640xi1>, vector<640x640xf32>
    %slice3A_106 = vector.extract_strided_slice %select_n3A {offsets = [0, 0], sizes = [640, 128], strides = [1, 1]} : vector<640x640xf32> to vector<640x128xf32>
    %slice3A_107 = vector.extract_strided_slice %select_n3A {offsets = [0, 128], sizes = [640, 128], strides = [1, 1]} : vector<640x640xf32> to vector<640x128xf32>
    %max3A_108 = arith.maximumf %slice3A_106, %slice3A_107 : vector<640x128xf32>
    %slice3A_109 = vector.extract_strided_slice %select_n3A {offsets = [0, 256], sizes = [640, 128], strides = [1, 1]} : vector<640x640xf32> to vector<640x128xf32>
    %max3A_110 = arith.maximumf %max3A_108, %slice3A_109 : vector<640x128xf32>
    %slice3A_111 = vector.extract_strided_slice %select_n3A {offsets = [0, 384], sizes = [640, 128], strides = [1, 1]} : vector<640x640xf32> to vector<640x128xf32>
    %max3A_112 = arith.maximumf %max3A_110, %slice3A_111 : vector<640x128xf32>
    %slice3A_113 = vector.extract_strided_slice %select_n3A {offsets = [0, 512], sizes = [640, 128], strides = [1, 1]} : vector<640x640xf32> to vector<640x128xf32>
    %max3A_114 = arith.maximumf %max3A_112, %slice3A_113 : vector<640x128xf32>
    %mul3A_115 = arith.constant 1280 : i32
    %mul3A_116 = arith.muli %arg0, %mul3A_115 : i32
    %get3A_117 = arith.constant 0 : index
    %get3A_118 = arith.index_cast %mul3A_116 : i32 to index
    %get3A_119 = vector.load %arg1[%get3A_117, %get3A_118] : memref<1x5120xf32, #tpu.memory_space<vmem>>, vector<1x640xf32>
    %get3A_120 = arith.constant 0 : index
    %get3A_121 = arith.index_cast %mul3A_116 : i32 to index
    %get3A_122 = vector.load %arg2[%get3A_120, %get3A_121] : memref<1x5120xf32, #tpu.memory_space<vmem>>, vector<1x640xf32>
    %get3A_123 = arith.constant 0 : index
    %get3A_124 = arith.index_cast %mul3A_116 : i32 to index
    %get3A_125 = vector.load %arg4[%get3A_123, %get3A_124] : memref<1x5120xf32, #tpu.memory_space<vmem>>, vector<1x640xf32>
    %get3A_126 = arith.constant 0 : index
    %get3A_127 = arith.index_cast %mul3A_116 : i32 to index
    %get3A_128 = vector.load %arg5[%get3A_126, %get3A_127] : memref<1x5120xf32, #tpu.memory_space<vmem>>, vector<1x640xf32>
    %mul3A_129 = arith.constant 5.000000e-01 : f32
    %mul3A_130 = vector.broadcast %mul3A_129 : f32 to vector<1x640xf32>
    %mul3A_131 = arith.mulf %get3A_125, %mul3A_130 : vector<1x640xf32>
    %sub3A_132 = arith.subf %get3A_119, %mul3A_131 : vector<1x640xf32>
    %mul3A_133 = arith.constant 5.000000e-01 : f32
    %mul3A_134 = vector.broadcast %mul3A_133 : f32 to vector<1x640xf32>
    %mul3A_135 = arith.mulf %get3A_125, %mul3A_134 : vector<1x640xf32>
    %add3A_136 = arith.addf %get3A_119, %mul3A_135 : vector<1x640xf32>
    %mul3A_137 = arith.constant 5.000000e-01 : f32
    %mul3A_138 = vector.broadcast %mul3A_137 : f32 to vector<1x640xf32>
    %mul3A_139 = arith.mulf %get3A_128, %mul3A_138 : vector<1x640xf32>
    %sub3A_140 = arith.subf %get3A_122, %mul3A_139 : vector<1x640xf32>
    %mul3A_141 = arith.constant 5.000000e-01 : f32
    %mul3A_142 = vector.broadcast %mul3A_141 : f32 to vector<1x640xf32>
    %mul3A_143 = arith.mulf %get3A_128, %mul3A_142 : vector<1x640xf32>
    %add3A_144 = arith.addf %get3A_122, %mul3A_143 : vector<1x640xf32>
    %mul3A_145 = arith.mulf %get3A_125, %get3A_128 : vector<1x640xf32>
    %mul3A_146 = arith.constant 0.333333343 : f32
    %mul3A_147 = vector.broadcast %mul3A_146 : f32 to vector<1x640xf32>
    %mul3A_148 = arith.mulf %mul3A_145, %mul3A_147 : vector<1x640xf32>
    %slice3A_149 = vector.extract_strided_slice %add3A {offsets = [640, 0], sizes = [640, 1], strides = [1, 1]} : vector<1280x1xf32> to vector<640x1xf32>
    %min3A_150 = vector.broadcast %slice3A_149 : vector<640x1xf32> to vector<640x640xf32>
    %min3A_151 = vector.broadcast %add3A_136 : vector<1x640xf32> to vector<640x640xf32>
    %min3A_152 = arith.minimumf %min3A_150, %min3A_151 : vector<640x640xf32>
    %slice3A_153 = vector.extract_strided_slice %sub3A {offsets = [640, 0], sizes = [640, 1], strides = [1, 1]} : vector<1280x1xf32> to vector<640x1xf32>
    %max3A_154 = vector.broadcast %slice3A_153 : vector<640x1xf32> to vector<640x640xf32>
    %max3A_155 = vector.broadcast %sub3A_132 : vector<1x640xf32> to vector<640x640xf32>
    %max3A_156 = arith.maximumf %max3A_154, %max3A_155 : vector<640x640xf32>
    %sub3A_157 = arith.subf %min3A_152, %max3A_156 : vector<640x640xf32>
    %slice3A_158 = vector.extract_strided_slice %add3A_28 {offsets = [640, 0], sizes = [640, 1], strides = [1, 1]} : vector<1280x1xf32> to vector<640x1xf32>
    %min3A_159 = vector.broadcast %slice3A_158 : vector<640x1xf32> to vector<640x640xf32>
    %min3A_160 = vector.broadcast %add3A_144 : vector<1x640xf32> to vector<640x640xf32>
    %min3A_161 = arith.minimumf %min3A_159, %min3A_160 : vector<640x640xf32>
    %slice3A_162 = vector.extract_strided_slice %sub3A_24 {offsets = [640, 0], sizes = [640, 1], strides = [1, 1]} : vector<1280x1xf32> to vector<640x1xf32>
    %max3A_163 = vector.broadcast %slice3A_162 : vector<640x1xf32> to vector<640x640xf32>
    %max3A_164 = vector.broadcast %sub3A_140 : vector<1x640xf32> to vector<640x640xf32>
    %max3A_165 = arith.maximumf %max3A_163, %max3A_164 : vector<640x640xf32>
    %sub3A_166 = arith.subf %min3A_161, %max3A_165 : vector<640x640xf32>
    %max3A_167 = arith.constant 0.000000e+00 : f32
    %max3A_168 = vector.broadcast %max3A_167 : f32 to vector<640x640xf32>
    %max3A_169 = arith.maximumf %sub3A_166, %max3A_168 : vector<640x640xf32>
    %mul3A_170 = arith.mulf %sub3A_157, %max3A_169 : vector<640x640xf32>
    %slice3A_171 = vector.extract_strided_slice %mul3A_32 {offsets = [640, 0], sizes = [640, 1], strides = [1, 1]} : vector<1280x1xf32> to vector<640x1xf32>
    %add3A_172 = vector.broadcast %slice3A_171 : vector<640x1xf32> to vector<640x640xf32>
    %add3A_173 = vector.broadcast %mul3A_148 : vector<1x640xf32> to vector<640x640xf32>
    %add3A_174 = arith.addf %add3A_172, %add3A_173 : vector<640x640xf32>
    %sub3A_175 = arith.subf %mul3A_170, %add3A_174 : vector<640x640xf32>
    %mul3A_176 = arith.constant 1280 : i32
    %mul3A_177 = arith.muli %arg0, %mul3A_176 : i32
    %add3A_178 = arith.constant 640 : i32
    %add3A_179 = arith.addi %mul3A_177, %add3A_178 : i32
    %get3A_180 = arith.constant 0 : index
    %get3A_181 = arith.index_cast %add3A_179 : i32 to index
    %get3A_182 = vector.load %arg1[%get3A_180, %get3A_181] : memref<1x5120xf32, #tpu.memory_space<vmem>>, vector<1x640xf32>
    %get3A_183 = arith.constant 0 : index
    %get3A_184 = arith.index_cast %add3A_179 : i32 to index
    %get3A_185 = vector.load %arg2[%get3A_183, %get3A_184] : memref<1x5120xf32, #tpu.memory_space<vmem>>, vector<1x640xf32>
    %get3A_186 = arith.constant 0 : index
    %get3A_187 = arith.index_cast %add3A_179 : i32 to index
    %get3A_188 = vector.load %arg4[%get3A_186, %get3A_187] : memref<1x5120xf32, #tpu.memory_space<vmem>>, vector<1x640xf32>
    %get3A_189 = arith.constant 0 : index
    %get3A_190 = arith.index_cast %add3A_179 : i32 to index
    %get3A_191 = vector.load %arg5[%get3A_189, %get3A_190] : memref<1x5120xf32, #tpu.memory_space<vmem>>, vector<1x640xf32>
    %mul3A_192 = arith.constant 5.000000e-01 : f32
    %mul3A_193 = vector.broadcast %mul3A_192 : f32 to vector<1x640xf32>
    %mul3A_194 = arith.mulf %get3A_188, %mul3A_193 : vector<1x640xf32>
    %sub3A_195 = arith.subf %get3A_182, %mul3A_194 : vector<1x640xf32>
    %mul3A_196 = arith.constant 5.000000e-01 : f32
    %mul3A_197 = vector.broadcast %mul3A_196 : f32 to vector<1x640xf32>
    %mul3A_198 = arith.mulf %get3A_188, %mul3A_197 : vector<1x640xf32>
    %add3A_199 = arith.addf %get3A_182, %mul3A_198 : vector<1x640xf32>
    %mul3A_200 = arith.constant 5.000000e-01 : f32
    %mul3A_201 = vector.broadcast %mul3A_200 : f32 to vector<1x640xf32>
    %mul3A_202 = arith.mulf %get3A_191, %mul3A_201 : vector<1x640xf32>
    %sub3A_203 = arith.subf %get3A_185, %mul3A_202 : vector<1x640xf32>
    %mul3A_204 = arith.constant 5.000000e-01 : f32
    %mul3A_205 = vector.broadcast %mul3A_204 : f32 to vector<1x640xf32>
    %mul3A_206 = arith.mulf %get3A_191, %mul3A_205 : vector<1x640xf32>
    %add3A_207 = arith.addf %get3A_185, %mul3A_206 : vector<1x640xf32>
    %mul3A_208 = arith.mulf %get3A_188, %get3A_191 : vector<1x640xf32>
    %mul3A_209 = arith.constant 0.333333343 : f32
    %mul3A_210 = vector.broadcast %mul3A_209 : f32 to vector<1x640xf32>
    %mul3A_211 = arith.mulf %mul3A_208, %mul3A_210 : vector<1x640xf32>
    %slice3A_212 = vector.extract_strided_slice %add3A {offsets = [640, 0], sizes = [640, 1], strides = [1, 1]} : vector<1280x1xf32> to vector<640x1xf32>
    %min3A_213 = vector.broadcast %slice3A_212 : vector<640x1xf32> to vector<640x640xf32>
    %min3A_214 = vector.broadcast %add3A_199 : vector<1x640xf32> to vector<640x640xf32>
    %min3A_215 = arith.minimumf %min3A_213, %min3A_214 : vector<640x640xf32>
    %slice3A_216 = vector.extract_strided_slice %sub3A {offsets = [640, 0], sizes = [640, 1], strides = [1, 1]} : vector<1280x1xf32> to vector<640x1xf32>
    %max3A_217 = vector.broadcast %slice3A_216 : vector<640x1xf32> to vector<640x640xf32>
    %max3A_218 = vector.broadcast %sub3A_195 : vector<1x640xf32> to vector<640x640xf32>
    %max3A_219 = arith.maximumf %max3A_217, %max3A_218 : vector<640x640xf32>
    %sub3A_220 = arith.subf %min3A_215, %max3A_219 : vector<640x640xf32>
    %slice3A_221 = vector.extract_strided_slice %add3A_28 {offsets = [640, 0], sizes = [640, 1], strides = [1, 1]} : vector<1280x1xf32> to vector<640x1xf32>
    %min3A_222 = vector.broadcast %slice3A_221 : vector<640x1xf32> to vector<640x640xf32>
    %min3A_223 = vector.broadcast %add3A_207 : vector<1x640xf32> to vector<640x640xf32>
    %min3A_224 = arith.minimumf %min3A_222, %min3A_223 : vector<640x640xf32>
    %slice3A_225 = vector.extract_strided_slice %sub3A_24 {offsets = [640, 0], sizes = [640, 1], strides = [1, 1]} : vector<1280x1xf32> to vector<640x1xf32>
    %max3A_226 = vector.broadcast %slice3A_225 : vector<640x1xf32> to vector<640x640xf32>
    %max3A_227 = vector.broadcast %sub3A_203 : vector<1x640xf32> to vector<640x640xf32>
    %max3A_228 = arith.maximumf %max3A_226, %max3A_227 : vector<640x640xf32>
    %sub3A_229 = arith.subf %min3A_224, %max3A_228 : vector<640x640xf32>
    %max3A_230 = arith.constant 0.000000e+00 : f32
    %max3A_231 = vector.broadcast %max3A_230 : f32 to vector<640x640xf32>
    %max3A_232 = arith.maximumf %sub3A_229, %max3A_231 : vector<640x640xf32>
    %mul3A_233 = arith.mulf %sub3A_220, %max3A_232 : vector<640x640xf32>
    %slice3A_234 = vector.extract_strided_slice %mul3A_32 {offsets = [640, 0], sizes = [640, 1], strides = [1, 1]} : vector<1280x1xf32> to vector<640x1xf32>
    %add3A_235 = vector.broadcast %slice3A_234 : vector<640x1xf32> to vector<640x640xf32>
    %add3A_236 = vector.broadcast %mul3A_211 : vector<1x640xf32> to vector<640x640xf32>
    %add3A_237 = arith.addf %add3A_235, %add3A_236 : vector<640x640xf32>
    %sub3A_238 = arith.subf %mul3A_233, %add3A_237 : vector<640x640xf32>
    %slice3A_239 = vector.extract_strided_slice %sub3A_175 {offsets = [0, 0], sizes = [640, 128], strides = [1, 1]} : vector<640x640xf32> to vector<640x128xf32>
    %slice3A_240 = vector.extract_strided_slice %sub3A_175 {offsets = [0, 128], sizes = [640, 128], strides = [1, 1]} : vector<640x640xf32> to vector<640x128xf32>
    %max3A_241 = arith.maximumf %slice3A_239, %slice3A_240 : vector<640x128xf32>
    %slice3A_242 = vector.extract_strided_slice %sub3A_175 {offsets = [0, 256], sizes = [640, 128], strides = [1, 1]} : vector<640x640xf32> to vector<640x128xf32>
    %max3A_243 = arith.maximumf %max3A_241, %slice3A_242 : vector<640x128xf32>
    %slice3A_244 = vector.extract_strided_slice %sub3A_175 {offsets = [0, 384], sizes = [640, 128], strides = [1, 1]} : vector<640x640xf32> to vector<640x128xf32>
    %max3A_245 = arith.maximumf %max3A_243, %slice3A_244 : vector<640x128xf32>
    %slice3A_246 = vector.extract_strided_slice %sub3A_175 {offsets = [0, 512], sizes = [640, 128], strides = [1, 1]} : vector<640x640xf32> to vector<640x128xf32>
    %max3A_247 = arith.maximumf %max3A_245, %slice3A_246 : vector<640x128xf32>
    %jit3A_248 = arith.constant -1.000000e+00 : f32
    %broadcast_in_dim3A_249 = vector.broadcast %jit3A_248 : f32 to vector<640x640xf32>
    %select_n3A_250 = arith.select %lt3A_46, %sub3A_238, %broadcast_in_dim3A_249 : vector<640x640xi1>, vector<640x640xf32>
    %slice3A_251 = vector.extract_strided_slice %select_n3A_250 {offsets = [0, 0], sizes = [640, 128], strides = [1, 1]} : vector<640x640xf32> to vector<640x128xf32>
    %slice3A_252 = vector.extract_strided_slice %select_n3A_250 {offsets = [0, 128], sizes = [640, 128], strides = [1, 1]} : vector<640x640xf32> to vector<640x128xf32>
    %max3A_253 = arith.maximumf %slice3A_251, %slice3A_252 : vector<640x128xf32>
    %slice3A_254 = vector.extract_strided_slice %select_n3A_250 {offsets = [0, 256], sizes = [640, 128], strides = [1, 1]} : vector<640x640xf32> to vector<640x128xf32>
    %max3A_255 = arith.maximumf %max3A_253, %slice3A_254 : vector<640x128xf32>
    %slice3A_256 = vector.extract_strided_slice %select_n3A_250 {offsets = [0, 384], sizes = [640, 128], strides = [1, 1]} : vector<640x640xf32> to vector<640x128xf32>
    %max3A_257 = arith.maximumf %max3A_255, %slice3A_256 : vector<640x128xf32>
    %slice3A_258 = vector.extract_strided_slice %select_n3A_250 {offsets = [0, 512], sizes = [640, 128], strides = [1, 1]} : vector<640x640xf32> to vector<640x128xf32>
    %max3A_259 = arith.maximumf %max3A_257, %slice3A_258 : vector<640x128xf32>
    %max3A_260 = arith.maximumf %max3A_247, %max3A_259 : vector<640x128xf32>
    %concatenate3A = tpu.concatenate %max3A_114, %max3A_260 in 0 : vector<640x128xf32>, vector<640x128xf32> -> vector<1280x128xf32>
    %max3A_261 = arith.maximumf %while3A_43, %concatenate3A : vector<1280x128xf32>
    %reduce_max3A = arith.constant dense<0xFF800000> : vector<1280xf32>
    %reduce_max3A_262 = vector.multi_reduction <maximumf>, %max3A_261, %reduce_max3A [1] : vector<1280x128xf32> to vector<1280xf32>
    %broadcast_in_dim3A_263 = vector.shape_cast %reduce_max3A_262 : vector<1280xf32> to vector<1280x1xf32>
    %le3A = arith.constant 0.000000e+00 : f32
    %le3A_264 = vector.broadcast %le3A : f32 to vector<1280x1xf32>
    %le3A_265 = arith.cmpf ole, %broadcast_in_dim3A_263, %le3A_264 : vector<1280x1xf32>
    %convert_element_type3A = arith.extui %le3A_265 : vector<1280x1xi1> to vector<1280x1xi32>
    %convert_element_type3A_266 = arith.sitofp %convert_element_type3A : vector<1280x1xi32> to vector<1280x1xf32>
    %get3A_267 = arith.constant 0 : index
    %get3A_268 = arith.index_cast %mul3A_0 : i32 to index
    %get3A_269 = vector.load %arg3[%get3A_267, %get3A_268] : memref<1x5120xf32, #tpu.memory_space<vmem>>, vector<1x1280xf32>
    %transpose3A_270 = tpu.transpose %get3A_269, [1, 0] : vector<1x1280xf32> -> vector<1280x1xf32>
    %get3A_271 = arith.constant 0 : index
    %get3A_272 = arith.index_cast %mul3A_0 : i32 to index
    %get3A_273 = vector.load %arg6[%get3A_271, %get3A_272] : memref<1x5120xf32, #tpu.memory_space<vmem>>, vector<1x1280xf32>
    %transpose3A_274 = tpu.transpose %get3A_273, [1, 0] : vector<1x1280xf32> -> vector<1280x1xf32>
    %get3A_275 = arith.constant 0 : index
    %get3A_276 = arith.index_cast %mul3A_0 : i32 to index
    %get3A_277 = vector.load %arg7[%get3A_275, %get3A_276] : memref<1x5120xf32, #tpu.memory_space<vmem>>, vector<1x1280xf32>
    %transpose3A_278 = tpu.transpose %get3A_277, [1, 0] : vector<1x1280xf32> -> vector<1280x1xf32>
    %broadcast_in_dim3A_279 = arith.constant 0.000000e+00 : f32
    %broadcast_in_dim3A_280 = vector.broadcast %broadcast_in_dim3A_279 : f32 to vector<1280x1xf32>
    %concatenate3A_281 = tpu.concatenate %transpose3A, %transpose3A_6, %transpose3A_270, %transpose3A_10, %transpose3A_14, %transpose3A_274, %transpose3A_278, %broadcast_in_dim3A_280 in 1 : vector<1280x1xf32>, vector<1280x1xf32>, vector<1280x1xf32>, vector<1280x1xf32>, vector<1280x1xf32>, vector<1280x1xf32>, vector<1280x1xf32>, vector<1280x1xf32> -> vector<1280x8xf32>
    %mul3A_282 = vector.broadcast %convert_element_type3A_266 : vector<1280x1xf32> to vector<1280x8xf32>
    %mul3A_283 = arith.mulf %concatenate3A_281, %mul3A_282 : vector<1280x8xf32>
    %swap3A = arith.constant 0 : index
    %swap3A_284 = arith.constant 0 : index
    %swap3A_285 = vector.load %arg8[%swap3A, %swap3A_284] : memref<1280x8xf32, #tpu.memory_space<vmem>>, vector<1280x8xf32>
    tpu.vector_store %arg8[%swap3A, %swap3A_284], %mul3A_283 {strides = array<i32>} : memref<1280x8xf32, #tpu.memory_space<vmem>>, vector<1280x8xf32>,
    return
  }
  func.func @transform_0(%arg0: i32) -> (i32, i32) {
    %c0_i32 = arith.constant 0 : i32
    %c0_i32_0 = arith.constant 0 : i32
    %c0_i32_1 = arith.constant 0 : i32
    return %c0_i32, %c0_i32_0 : i32, i32
  }
  func.func @transform_1(%arg0: i32) -> (i32, i32) {
    %c0_i32 = arith.constant 0 : i32
    %c0_i32_0 = arith.constant 0 : i32
    %c0_i32_1 = arith.constant 0 : i32
    return %c0_i32, %c0_i32_0 : i32, i32
  }
  func.func @transform_2(%arg0: i32) -> (i32, i32) {
    %c0_i32 = arith.constant 0 : i32
    %c0_i32_0 = arith.constant 0 : i32
    %c0_i32_1 = arith.constant 0 : i32
    return %c0_i32, %c0_i32_0 : i32, i32
  }
  func.func @transform_3(%arg0: i32) -> (i32, i32) {
    %c0_i32 = arith.constant 0 : i32
    %c0_i32_0 = arith.constant 0 : i32
    %c0_i32_1 = arith.constant 0 : i32
    return %c0_i32, %c0_i32_0 : i32, i32
  }
  func.func @transform_4(%arg0: i32) -> (i32, i32) {
    %c0_i32 = arith.constant 0 : i32
    %c0_i32_0 = arith.constant 0 : i32
    %c0_i32_1 = arith.constant 0 : i32
    return %c0_i32, %c0_i32_0 : i32, i32
  }
  func.func @transform_5(%arg0: i32) -> (i32, i32) {
    %c0_i32 = arith.constant 0 : i32
    %c0_i32_0 = arith.constant 0 : i32
    %c0_i32_1 = arith.constant 0 : i32
    return %c0_i32, %c0_i32_0 : i32, i32
  }
  func.func @transform_6(%arg0: i32) -> (i32, i32) {
    %c0_i32 = arith.constant 0 : i32
    %c0_i32_0 = arith.constant 0 : i32
    %c0_i32_1 = arith.constant 0 : i32
    return %c0_i32, %c0_i32_0 : i32, i32
  }
  func.func @transform_7(%arg0: i32) -> (i32, i32) {
    %c0_i32 = arith.constant 0 : i32
    %c0_i32_0 = arith.constant 0 : i32
    return %arg0, %c0_i32 : i32, i32
  }
}

</mosaic_0001>

<sc_bundles>
// kernel: kernel.4.cloned.1.call-start
scs
__scs_entry_jumppad:
0x0: {  	(pc) =	sbr.rel $0x88, $3  }
0x1: {  	(tag) =	ssettag $0x0;
	lr =	simm.s32 $0x1  }
0x2: {  	[smem:$0x3F9F] =	sst lr;
	_ =	strace $0xD0000000  }
0x3: {  	_ = 	snop  }
0x4: {  	_ = 	snop  }
0x5: {  	_ = 	snop  }
0x6: {  	_ = 	snop  }
0x7: {  	_ = 	snop  }
__scs_overlays_trampoline_lowered:
0x8: {  	[smem:$0x3FAE] =	sst s0  }
0x9: {  	[smem:$0x3FAF] =	sst s1  }
0xa: {  	[smem:$0x3FB0] =	sst s2  }
0xb: {  	[smem:$0x3FB1] =	sst s3  }
0xc: {  	[smem:$0x3FB2] =	sst s4  }
0xd: {  	[smem:$0x3FB3] =	sst s5  }
0xe: {  	[smem:$0x3FB4] =	sst s6  }
0xf: {  	[smem:$0x3FB5] =	sst s7  }
0x10: {  	[smem:$0x3FB6] =	sst s8  }
0x11: {  	[smem:$0x3FB7] =	sst s9;
	s0 =	simm.s32 @!p0 $0x0  }
0x12: {  	s1 =	sld [smem:$0x3F9D];
	s0 =	simm.s32 @p0 $0x1  }
0x13: {  	[smem:$0x3FB8] =	sst s0;
	s0 =	simm.s32 @!p1 $0x0  }
0x14: {  	s2 =	sld [smem:$0x3F9C];
	s0 =	simm.s32 @p1 $0x1  }
0x15: {  	[smem:$0x3FB9] =	sst s0;
	s0 =	simm.s32 @!p2 $0x0  }
0x16: {  	s3 =	sld [smem:$0x3FDB];
	s0 =	simm.s32 @p2 $0x1  }
0x17: {  	s4 =	simm.s32 $0x1BF5;
	[smem:$0x3FBB] =	sst s0  }
0x18: {  	s0 =	sld [smem:$0x3F9E];
	_ =	swait.ge [sflag:s4], $0x0  }
0x19: {  	s7 =	sld [smem:$0x3F9F]  }
0x1a: {  	s8 =	sadd.s32 $0xFFFFE003, lr  }
0x1b: {  	s9 =	sadd.s32 $0xFFFFFEF7, lr;
	s5 =	simm.s32 $0xFFFFFFFF;
	p2 =	slt.u32 s8, $0xFFFFF086  }
0x1c: {  	p1 =	slt.u32 s9, $0xF7A;
	s5 =	simm.s32 @!p2 $0x0  }
0x1d: {  	s5 =	simm.s32 @p1 $0x1;
	p0 =	seq.s32 s7, s2  }
0x1e: {  	s7 =	smul.u32 @!p0 $0xF7A, s2;
	p2 =	seq.s32 @!p0 s5, $0x0  }
0x1f: {  	s9 =	smul.u32 $0xF7A, s1;
	s8 =	simm.s32 @!p0 $0x1BF5;
	p2 =	por !p2, p0  }
0x20: {  	[sflag:s8] =	ssyncset.s32 @!p0 $0xFFFFF086;
	s6 =	sadd.s32 @!p0 s3, s7;
	s7 =	simm.s32 @!p0 $0x108  }
0x21: {  	s3 =	sadd.s32 s3, s9;
	s6 =	sadd.s32 @!p0 $0x88, s6;
	s7 =	simm.s32 @p2 $0x1082  }
0x22: {  	[simem:s7], [sflag:s8] =	dma.local @!p0 [hbm:s6], $0xF7A  }
0x23: {  	s9 =	sor.u32 $0xD0000000, s2;
	s6 =	simm.s32 $0x108;
	_ =	swait.ge @!p0 [sflag:s8], $0x0  }
0x24: {  	s3 =	sadd.s32 $0x88, s3;
	s6 =	simm.s32 @!p1 $0x1082;
	[sflag:s4] =	ssyncset.s32 $0xFFFFF086  }
0x25: {  	[simem:s6], [sflag:s4] =	dma.local [hbm:s3], $0xF7A  }
0x26: {  	[smem:$0x3F9F] =	sst s1;
	(tag) =	ssettag s2;
	_ =	strace s9  }
0x27: {  	s1 =	sld [smem:$0x3FAF]  }
0x28: {  	s2 =	sld [smem:$0x3FB0]  }
0x29: {  	s4 =	sld [smem:$0x3FB2]  }
0x2a: {  	p0 =	seq.s32 s5, $0x0;
	s5 =	sld [smem:$0x3FB3]  }
0x2b: {  	s6 =	sld [smem:$0x3FB4]  }
0x2c: {  	s7 =	sld [smem:$0x3FB5]  }
0x2d: {  	s3 =	simm.s32 $0x108;
	s8 =	sld [smem:$0x3FB6]  }
0x2e: {  	s3 =	simm.s32 @!p0 $0x1082;
	s9 =	sld [smem:$0x3FB7]  }
0x2f: {  	lr =	sadd.s32 s0, s3;
	s0 =	sld [smem:$0x3FAE]  }
0x30: {  	s3 =	sld [smem:$0x3FB1]  }
0x31: {  	[smem:$0x3FBA] =	sst s10  }
0x32: {  	s10 =	sld [smem:$0x3FB8];
	_ =	sdelay $0x3  }
0x33: {  	p0 =	seq.s32 s10, $0x1;
	s10 =	sld [smem:$0x3FBA];
	_ =	sdelay $0x3  }
0x34: {  	[smem:$0x3FBA] =	sst s10  }
0x35: {  	s10 =	sld [smem:$0x3FB9];
	_ =	sdelay $0x3  }
0x36: {  	p1 =	seq.s32 s10, $0x1;
	s10 =	sld [smem:$0x3FBA];
	_ =	sdelay $0x3  }
0x37: {  	[smem:$0x3FBA] =	sst s10  }
0x38: {  	s10 =	sld [smem:$0x3FBB]  }
0x39: {  	_ = 	snop;
	(pc) =	sbr.ind lr, $3  }
0x3a: {  	_ = 	snop  }
0x3b: {  	_ = 	snop  }
0x3c: {  	p2 =	seq.s32 s10, $0x1;
	s10 =	sld [smem:$0x3FBA]  }
0x3d: {  	_ =	shalt  }
0x3e: {  	_ =	shalt  }
0x3f: {  	_ =	shalt  }
0x40: {  	_ =	shalt  }
0x41: {  	_ =	shalt  }
0x42: {  	_ =	shalt  }
0x43: {  	_ =	shalt  }
0x44: {  	_ =	shalt  }
0x45: {  	_ =	shalt  }
0x46: {  	_ =	shalt  }
0x47: {  	_ =	shalt  }
0x48: {  	_ =	shalt  }
0x49: {  	_ =	shalt  }
0x4a: {  	_ =	shalt  }
0x4b: {  	_ =	shalt  }
0x4c: {  	_ =	shalt  }
0x4d: {  	_ =	shalt  }
0x4e: {  	_ =	shalt  }
0x4f: {  	_ =	shalt  }
0x50: {  	_ =	shalt  }
0x51: {  	_ =	shalt  }
0x52: {  	_ =	shalt  }
0x53: {  	_ =	shalt  }
0x54: {  	_ =	shalt  }
0x55: {  	_ =	shalt  }
0x56: {  	_ =	shalt  }
0x57: {  	_ =	shalt  }
0x58: {  	_ =	shalt  }
0x59: {  	_ =	shalt  }
0x5a: {  	_ =	shalt  }
0x5b: {  	_ =	shalt  }
0x5c: {  	_ =	shalt  }
0x5d: {  	_ =	shalt  }
0x5e: {  	_ =	shalt  }
0x5f: {  	_ =	shalt  }
0x60: {  	_ =	shalt  }
0x61: {  	_ =	shalt  }
0x62: {  	_ =	shalt  }
0x63: {  	_ =	shalt  }
0x64: {  	_ =	shalt  }
0x65: {  	_ =	shalt  }
0x66: {  	_ =	shalt  }
0x67: {  	_ =	shalt  }
0x68: {  	_ =	shalt  }
0x69: {  	_ =	shalt  }
0x6a: {  	_ =	shalt  }
0x6b: {  	_ =	shalt  }
0x6c: {  	_ =	shalt  }
0x6d: {  	_ =	shalt  }
0x6e: {  	_ =	shalt  }
0x6f: {  	_ =	shalt  }
0x70: {  	_ =	shalt  }
0x71: {  	_ =	shalt  }
0x72: {  	_ =	shalt  }
0x73: {  	_ =	shalt  }
0x74: {  	_ =	shalt  }
0x75: {  	_ =	shalt  }
0x76: {  	_ =	shalt  }
0x77: {  	_ =	shalt  }
0x78: {  	_ =	shalt  }
0x79: {  	_ =	shalt  }
0x7a: {  	_ =	shalt  }
0x7b: {  	_ =	shalt  }
0x7c: {  	_ =	shalt  }
0x7d: {  	_ =	shalt  }
0x7e: {  	_ =	shalt  }
0x7f: {  	_ =	shalt  }
0x80: {  	_ =	shalt  }
0x81: {  	_ =	shalt  }
0x82: {  	_ =	shalt  }
0x83: {  	_ =	shalt  }
0x84: {  	_ =	shalt  }
0x85: {  	_ =	shalt  }
0x86: {  	_ =	shalt  }
0x87: {  	_ =	shalt  }
.Lfunc_end0:
.L_simem_size_0:
called_computation_lowered:
.L_overlay_start_0:
0x88: {  	s2 =	sld [smem:$0x3FD9]  }
0x89: {  	s3 =	sld [smem:$0x3FFE];
	_ =	sdelay $0x1  }
0x8a: {  	s1 =	srdreg.scid  }
0x8b: {  	s0 =	sand.u32 $0x1, s1  }
0x8c: {  	s17 =	sshll.u32 s0, $0xA;
	s2 =	sadd.s32 s3, s2  }
0x8d: {  	s2 =	sadd.s32 s2, s17  }
0x8e: {  	[smem:$0x3FC6] =	sst s2  }
0x8f: {  	_ = 	snop  }
0x90: {  	s2 =	sld [smem:$0x3FC8]  }
0x91: {  	s18 =	sld [smem:$0x3FD0];
	(tm) =	ssettm $0x1  }
0x92: {  	s4 =	sld [smem:$0x3FFB];
	_ =	sdelay $0x3  }
0x93: {  	_ =	strace s4  }
0x94: {  	s4 =	sld [smem:$0x3FFC];
	_ =	sdelay $0x3  }
0x95: {  	_ =	strace s4  }
0x96: {  	s4 =	sld [smem:$0x3FFD];
	_ =	sdelay $0x3  }
0x97: {  	_ =	strace s4  }
0x98: {  	_ =	strace $0x8FFFFFFF  }
0x99: {  	s19 =	sld [smem:$0x3FDB];
	_ =	sdelay $0x1  }
0x9a: {  	s5 =	simm.s32 $_scs_section_size  }
0x9b: {  	s6 =	simm.s32 $_size__tile_overlayer_lowered;
	s7 =	simm.s32 $_tile_overlayer_lowered  }
0x9c: {  	s22 =	simm.s32 $0x1BFF;
	s21 =	sshll.u32 s7, $0x1;
	s4 =	sadd.s32 s5, s19  }
0x9d: {  	s8 =	simm.s32 $0x0;
	s20 =	sshll.u32 s6, $0x1;
	s6 =	sadd.s32 s21, s4  }
0x9e: {  	[timem:s8], [sflag:s22] =	dma.local [hbm:s6], s20  }
0x9f: {  	_ =	swait.ge [sflag:s22], s20  }
0xa0: {  	s5 =	ssub.s32 $0x0, s20;
	[sflag:s22] =	ssyncset.done $0x0  }
0xa1: {  	[sflag:s22] =	ssyncadd.s32 s5;
	_ =	sdelay $0x1  }
0xa2: {  	s23 =	simm.s32 $0x1B8B  }
0xa3: {  	_ =	swait.ge [sflag:s23], $0x1  }
0xa4: {  	[sflag:s23] =	ssyncset.done $0x0  }
0xa5: {  	s25 =	simm.s32 $0x1B8E;
	s24 =	sld [smem:$0x3FFE];
	[sflag:s23] =	ssyncadd.s32 $0xFFFFFFFF  }
0xa6: {  	s26 =	simm.s32 $execute0_lowered;
	[smem:$0x3FD2] =	sst s25  }
0xa7: {  	s6 =	sshll.u32 s26, $0x1;
	_ =	strace $0x80000046;
	[dreg:$0x1] =	wrdreg $0xFFFFFFFF  }
0xa8: {  	s28 =	simm.s32 $_size_execute0_lowered;
	s4 =	sadd.s32 s4, s6;
	[dreg:$0x0] =	wrdreg $0x0  }
0xa9: {  	s6 =	sshll.u32 s28, $0x1;
	[dreg:$0x2] =	wrdreg s4  }
0xaa: {  	[dreg:$0x3] =	wrdreg s6  }
0xab: {  	[dreg:$0x4] =	wrdreg $0xC0  }
0xac: {  	_ =	task [dreg:s8], $0x5FFFF  }
0xad: {  	[dreg:$0x1] =	wrdreg $0xFFFFFFFF  }
0xae: {  	[dreg:$0x0] =	wrdreg $0x60  }
0xaf: {  	[dreg:$0x2] =	wrdreg s24  }
0xb0: {  	[dreg:$0x3] =	wrdreg s18  }
0xb1: {  	[dreg:$0x4] =	wrdreg s2  }
0xb2: {  	[dreg:$0x5] =	wrdreg $0x9  }
0xb3: {  	_ =	task.clear_ibuf [dreg:s8], $0x6FFFF;
	_ =	strace $0x90000046  }
0xb4: {  	s29 =	simm.s32 $0x9;
	_ =	strace $0x80000048  }
0xb5: {  	_ =	swait.ge [sflag:s29], $0x1  }
0xb6: {  	[sflag:s29] =	ssyncadd.s32 $0xFFFFFFFF  }
0xb7: {  	_ =	strace $0x90000048  }
0xb8: {  	_ =	sfence  }
0xb9: {  	s30 =	sld [smem:$0x0];
	_ =	sdelay $0x2  }
0xba: {  	s31 =	sshll.u32 s1, $0xD;
	s1 =	sshrl.u32 s1, $0x2  }
0xbb: {  	s3 =	sand.u32 $0x4000, s31;
	s1 =	sadd.s32 s1, s30  }
0xbc: {  	s0 =	sor.u32 s3, s0;
	s1 =	sshll.u32 s1, $0x11  }
0xbd: {  	s0 =	sor.u32 s1, s0  }
0xbe: {  	s0 =	sadd.s32 $0x8F2B, s0  }
0xbf: {  	[sflag:s0] =	ssyncadd.remote.s32 $0x1  }
0xc0: {  	_ =	sfence.sel $0xFFFF  }
0xc1: {  	[dreg:$0x0] =	wrdreg $0xFFFFFFFF;
	(pc) =	sbr.abs _section_cstart, $3  }
0xc2: {  	[dreg:$0x1] =	wrdreg $0xFFFFFFFF  }
0xc3: {  	_ =	task.clear_ibuf [dreg:s8], $0x2FFFF;
	_ =	strace $0x9FFFFFFF  }
0xc4: {  	(tm) =	ssettm $0x7FFFFFFF  }
0xc5: {  	_ =	shalt  }
tec
execute0_lowered:
.L_overlay_start_1:
0x0: {  	(tag) =	ssettag $0x1  }
0x1: {  	s16 =	rddreg [dreg:$0x0]  }
0x2: {  	s1 =	srdreg.scid;
	s0 =	stileid.u32  }
0x3: {  	s2 =	rddreg [dreg:$0x1];
	s26 =	sand.u32 $0x1, s1;
	s31 =	sshll.u32 s0, $0x1  }
0x4: {  	s3 =	rddreg [dreg:$0x2];
	s5 =	sor.u32 s26, s31  }
0x5: {  	s4 =	simm.s32 $0x0;
	s1 =	rddreg [dreg:$0x3];
	s5 =	smul.u32 $0x14, s5  }
0x6: {  	[smem:$0x7FF] =	sst s4  }
0x7: {  	_ =	strace $0x80000047;
	s6 =	sadd.s32 s16, s5;
	s5 =	simm.s32 $0x2  }
0x8: {  	[tilespmem:s4], [sflag:$0x2] =	stream.linear.gather [hbm4b:s6+s4], $0xA0, $0x38;
	[tilespmem:$0x800] =	vst v63  }
0x9: {  	_ =	swait.ge [sflag:s5], $0xA0  }
0xa: {  	s8 =	simm.s32 $0xA0;
	[sflag:s5] =	ssyncset.done $0x0  }
0xb: {  	s9 =	simm.s32 $0x100;
	s7 =	sadd.s32 $0x2C00, s16;
	[sflag:s5] =	ssyncadd.s32 $0xFFFFFF60  }
0xc: {  	[tilespmem:s9], [sflag:$0x1] =	stream.indirect.gather [hbm4b:s7+s8], $0x1, s4, s8, $0xb8;
	[tilespmem:$0x800] =	vst v63  }
0xd: {  	s11 =	simm.s32 $0x200;
	s10 =	sadd.s32 $0x2200, s16  }
0xe: {  	[tilespmem:s11], [sflag:$0x1] =	stream.indirect.gather [hbm4b:s10+s8], $0x1, s4, s8, $0xb8;
	[tilespmem:$0x800] =	vst v63  }
0xf: {  	s13 =	simm.s32 $0x300;
	s12 =	sadd.s32 $0x1800, s16  }
0x10: {  	[tilespmem:s13], [sflag:$0x1] =	stream.indirect.gather [hbm4b:s12+s8], $0x1, s4, s8, $0xb8;
	[tilespmem:$0x800] =	vst v63  }
0x11: {  	s15 =	simm.s32 $0x400;
	s14 =	sadd.s32 $0xE00, s16  }
0x12: {  	[tilespmem:s15], [sflag:$0x1] =	stream.indirect.gather [hbm4b:s14+s8], $0x1, s4, s8, $0xb8;
	[tilespmem:$0x800] =	vst v63  }
0x13: {  	s17 =	simm.s32 $0x500;
	s16 =	sadd.s32 $0x400, s16  }
0x14: {  	[tilespmem:s17], [sflag:$0x1] =	stream.indirect.gather [hbm4b:s16+s8], $0x1, s4, s8, $0xb8;
	[tilespmem:$0x800] =	vst v63  }
0x15: {  	s18 =	simm.s32 $0x600  }
0x16: {  	[tilespmem:s18], [sflag:$0x1] =	stream.indirect.gather [hbm4b:s2+s8], $0x1, s4, s8, $0xb8;
	[tilespmem:$0x800] =	vst v63  }
0x17: {  	s19 =	simm.s32 $0x700;
	s20 =	simm.s32 $0x1  }
0x18: {  	[tilespmem:s19], [sflag:$0x1] =	stream.indirect.gather [hbm4b:s3+s8], $0x1, s4, s8, $0xb8;
	[tilespmem:$0x800] =	vst v63  }
0x19: {  	_ =	swait.ge [sflag:s20], $0xA0  }
0x1a: {  	[sflag:s20] =	ssyncset.done $0x0  }
0x1b: {  	[sflag:s20] =	ssyncadd.s32 $0xFFFFFF60  }
0x1c: {  	_ =	swait.ge [sflag:s20], $0xA0  }
0x1d: {  	[sflag:s20] =	ssyncset.done $0x0  }
0x1e: {  	[sflag:s20] =	ssyncadd.s32 $0xFFFFFF60  }
0x1f: {  	_ =	swait.ge [sflag:s20], $0xA0  }
0x20: {  	[sflag:s20] =	ssyncset.done $0x0  }
0x21: {  	[sflag:s20] =	ssyncadd.s32 $0xFFFFFF60  }
0x22: {  	_ =	swait.ge [sflag:s20], $0xA0  }
0x23: {  	[sflag:s20] =	ssyncset.done $0x0  }
0x24: {  	[sflag:s20] =	ssyncadd.s32 $0xFFFFFF60  }
0x25: {  	_ =	swait.ge [sflag:s20], $0xA0  }
0x26: {  	[sflag:s20] =	ssyncset.done $0x0  }
0x27: {  	[sflag:s20] =	ssyncadd.s32 $0xFFFFFF60  }
0x28: {  	_ =	swait.ge [sflag:s20], $0xA0  }
0x29: {  	[sflag:s20] =	ssyncset.done $0x0  }
0x2a: {  	[sflag:s20] =	ssyncadd.s32 $0xFFFFFF60  }
0x2b: {  	_ =	swait.ge [sflag:s20], $0xA0  }
0x2c: {  	[sflag:s20] =	ssyncset.done $0x0  }
0x2d: {  	s21 =	sadd.s32 $0x3600, s6;
	[sflag:s20] =	ssyncadd.s32 $0xFFFFFF60  }
0x2e: {  	[hbm4b:s21+s4] =	stream.linear.scatter [tilespmem:s9], [sflag:$0x2], $0xA0, $0x38;
	[tilespmem:$0x800] =	vst v63  }
0x2f: {  	_ =	swait.ge [sflag:s5], $0xA0  }
0x30: {  	[sflag:s5] =	ssyncset.done $0x0  }
0x31: {  	s22 =	sadd.s32 $0x3A00, s6;
	[sflag:s5] =	ssyncadd.s32 $0xFFFFFF60  }
0x32: {  	[hbm4b:s22+s4] =	stream.linear.scatter [tilespmem:s11], [sflag:$0x2], $0xA0, $0x38;
	[tilespmem:$0x800] =	vst v63  }
0x33: {  	_ =	swait.ge [sflag:s5], $0xA0  }
0x34: {  	[sflag:s5] =	ssyncset.done $0x0  }
0x35: {  	s23 =	sadd.s32 $0x3E00, s6;
	[sflag:s5] =	ssyncadd.s32 $0xFFFFFF60  }
0x36: {  	[hbm4b:s23+s4] =	stream.linear.scatter [tilespmem:s13], [sflag:$0x2], $0xA0, $0x38;
	[tilespmem:$0x800] =	vst v63  }
0x37: {  	_ =	swait.ge [sflag:s5], $0xA0  }
0x38: {  	[sflag:s5] =	ssyncset.done $0x0  }
0x39: {  	s24 =	sadd.s32 $0x4200, s6;
	[sflag:s5] =	ssyncadd.s32 $0xFFFFFF60  }
0x3a: {  	[hbm4b:s24+s4] =	stream.linear.scatter [tilespmem:s15], [sflag:$0x2], $0xA0, $0x38;
	[tilespmem:$0x800] =	vst v63  }
0x3b: {  	_ =	swait.ge [sflag:s5], $0xA0  }
0x3c: {  	[sflag:s5] =	ssyncset.done $0x0  }
0x3d: {  	s28 =	ssub.s32 $0x2, s26;
	s25 =	sadd.s32 $0x4600, s6;
	[sflag:s5] =	ssyncadd.s32 $0xFFFFFF60  }
0x3e: {  	[hbm4b:s25+s4] =	stream.linear.scatter [tilespmem:s17], [sflag:$0x2], $0xA0, $0x38;
	[tilespmem:$0x800] =	vst v63  }
0x3f: {  	s29 =	sshrl.u32 s28, $0x1;
	_ =	swait.ge [sflag:s5], $0xA0  }
0x40: {  	s28 =	ssub.s32 s28, s29;
	[sflag:s5] =	ssyncset.done $0x0  }
0x41: {  	s29 =	smax.u32 s28, $0x1;
	s26 =	sadd.s32 $0x4A00, s6;
	[sflag:s5] =	ssyncadd.s32 $0xFFFFFF60  }
0x42: {  	[hbm4b:s26+s4] =	stream.linear.scatter [tilespmem:s18], [sflag:$0x2], $0xA0, $0x38;
	[tilespmem:$0x800] =	vst v63  }
0x43: {  	p0 =	sne.s32 s29, $0x1;
	_ =	swait.ge [sflag:s5], $0xA0  }
.Ltmp0:
0x44: {  	[sflag:s5] =	ssyncset.done $0x0;
	(pc) =	sbr.rel @!p0 .LBB2_2-.Ltmp0, $4  }
0x45: {  	s28 =	sadd.s32 $0x4E00, s6;
	[sflag:s5] =	ssyncadd.s32 $0xFFFFFF60  }
0x46: {  	[hbm4b:s28+s4] =	stream.linear.scatter [tilespmem:s19], [sflag:$0x2], $0xA0, $0x38;
	[tilespmem:$0x800] =	vst v63  }
0x47: {  	_ =	swait.ge [sflag:s5], $0xA0  }
0x48: {  	s29 =	sadd.s32 $0xFFFFFFFF, s29;
	[sflag:s5] =	ssyncset.done $0x0  }
.LBB2_1:
0x49: {  	p0 =	sne.s32 s29, $0x1;
	s29 =	sadd.s32 $0xFFFFFFFF, s29;
	[sflag:s5] =	ssyncadd.s32 $0xFFFFFF60  }
0x4a: {  	[tilespmem:s4], [sflag:$0x2] =	stream.linear.gather [hbm4b:s6+s4], $0xA0, $0x38;
	[tilespmem:$0x800] =	vst v63  }
0x4b: {  	_ =	swait.ge [sflag:s5], $0xA0  }
0x4c: {  	[sflag:s5] =	ssyncset.done $0x0  }
0x4d: {  	[sflag:s5] =	ssyncadd.s32 $0xFFFFFF60  }
0x4e: {  	[tilespmem:s9], [sflag:$0x1] =	stream.indirect.gather [hbm4b:s7+s8], $0x1, s4, s8, $0xb8;
	[tilespmem:$0x800] =	vst v63  }
0x4f: {  	_ = 	snop  }
0x50: {  	[tilespmem:s11], [sflag:$0x1] =	stream.indirect.gather [hbm4b:s10+s8], $0x1, s4, s8, $0xb8;
	[tilespmem:$0x800] =	vst v63  }
0x51: {  	_ = 	snop  }
0x52: {  	[tilespmem:s13], [sflag:$0x1] =	stream.indirect.gather [hbm4b:s12+s8], $0x1, s4, s8, $0xb8;
	[tilespmem:$0x800] =	vst v63  }
0x53: {  	_ = 	snop  }
0x54: {  	[tilespmem:s15], [sflag:$0x1] =	stream.indirect.gather [hbm4b:s14+s8], $0x1, s4, s8, $0xb8;
	[tilespmem:$0x800] =	vst v63  }
0x55: {  	_ = 	snop  }
0x56: {  	[tilespmem:s17], [sflag:$0x1] =	stream.indirect.gather [hbm4b:s16+s8], $0x1, s4, s8, $0xb8;
	[tilespmem:$0x800] =	vst v63  }
0x57: {  	_ = 	snop  }
0x58: {  	[tilespmem:s18], [sflag:$0x1] =	stream.indirect.gather [hbm4b:s2+s8], $0x1, s4, s8, $0xb8;
	[tilespmem:$0x800] =	vst v63  }
0x59: {  	_ = 	snop  }
0x5a: {  	[tilespmem:s19], [sflag:$0x1] =	stream.indirect.gather [hbm4b:s3+s8], $0x1, s4, s8, $0xb8;
	[tilespmem:$0x800] =	vst v63  }
0x5b: {  	_ =	swait.ge [sflag:s20], $0xA0  }
0x5c: {  	[sflag:s20] =	ssyncset.done $0x0  }
0x5d: {  	[sflag:s20] =	ssyncadd.s32 $0xFFFFFF60  }
0x5e: {  	_ =	swait.ge [sflag:s20], $0xA0  }
0x5f: {  	[sflag:s20] =	ssyncset.done $0x0  }
0x60: {  	[sflag:s20] =	ssyncadd.s32 $0xFFFFFF60  }
0x61: {  	_ =	swait.ge [sflag:s20], $0xA0  }
0x62: {  	[sflag:s20] =	ssyncset.done $0x0  }
0x63: {  	[sflag:s20] =	ssyncadd.s32 $0xFFFFFF60  }
0x64: {  	_ =	swait.ge [sflag:s20], $0xA0  }
0x65: {  	[sflag:s20] =	ssyncset.done $0x0  }
0x66: {  	[sflag:s20] =	ssyncadd.s32 $0xFFFFFF60  }
0x67: {  	_ =	swait.ge [sflag:s20], $0xA0  }
0x68: {  	[sflag:s20] =	ssyncset.done $0x0  }
0x69: {  	[sflag:s20] =	ssyncadd.s32 $0xFFFFFF60  }
0x6a: {  	_ =	swait.ge [sflag:s20], $0xA0  }
0x6b: {  	[sflag:s20] =	ssyncset.done $0x0  }
0x6c: {  	[sflag:s20] =	ssyncadd.s32 $0xFFFFFF60  }
0x6d: {  	_ =	swait.ge [sflag:s20], $0xA0  }
0x6e: {  	[sflag:s20] =	ssyncset.done $0x0  }
0x6f: {  	[sflag:s20] =	ssyncadd.s32 $0xFFFFFF60  }
0x70: {  	[hbm4b:s21+s4] =	stream.linear.scatter [tilespmem:s9], [sflag:$0x2], $0xA0, $0x38;
	[tilespmem:$0x800] =	vst v63  }
0x71: {  	_ =	swait.ge [sflag:s5], $0xA0  }
0x72: {  	[sflag:s5] =	ssyncset.done $0x0  }
0x73: {  	[sflag:s5] =	ssyncadd.s32 $0xFFFFFF60  }
0x74: {  	[hbm4b:s22+s4] =	stream.linear.scatter [tilespmem:s11], [sflag:$0x2], $0xA0, $0x38;
	[tilespmem:$0x800] =	vst v63  }
0x75: {  	_ =	swait.ge [sflag:s5], $0xA0  }
0x76: {  	[sflag:s5] =	ssyncset.done $0x0  }
0x77: {  	[sflag:s5] =	ssyncadd.s32 $0xFFFFFF60  }
0x78: {  	[hbm4b:s23+s4] =	stream.linear.scatter [tilespmem:s13], [sflag:$0x2], $0xA0, $0x38;
	[tilespmem:$0x800] =	vst v63  }
0x79: {  	_ =	swait.ge [sflag:s5], $0xA0  }
0x7a: {  	[sflag:s5] =	ssyncset.done $0x0  }
0x7b: {  	[sflag:s5] =	ssyncadd.s32 $0xFFFFFF60  }
0x7c: {  	[hbm4b:s24+s4] =	stream.linear.scatter [tilespmem:s15], [sflag:$0x2], $0xA0, $0x38;
	[tilespmem:$0x800] =	vst v63  }
0x7d: {  	_ =	swait.ge [sflag:s5], $0xA0  }
0x7e: {  	[sflag:s5] =	ssyncset.done $0x0  }
0x7f: {  	[sflag:s5] =	ssyncadd.s32 $0xFFFFFF60  }
0x80: {  	[hbm4b:s25+s4] =	stream.linear.scatter [tilespmem:s17], [sflag:$0x2], $0xA0, $0x38;
	[tilespmem:$0x800] =	vst v63  }
0x81: {  	_ =	swait.ge [sflag:s5], $0xA0  }
0x82: {  	[sflag:s5] =	ssyncset.done $0x0  }
0x83: {  	[sflag:s5] =	ssyncadd.s32 $0xFFFFFF60  }
0x84: {  	[hbm4b:s26+s4] =	stream.linear.scatter [tilespmem:s18], [sflag:$0x2], $0xA0, $0x38;
	[tilespmem:$0x800] =	vst v63  }
0x85: {  	_ =	swait.ge [sflag:s5], $0xA0  }
.Ltmp1:
0x86: {  	[sflag:s5] =	ssyncset.done $0x0;
	(pc) =	sbr.rel @p0 .LBB2_1-.Ltmp1, $4  }
0x87: {  	[sflag:s5] =	ssyncadd.s32 $0xFFFFFF60  }
0x88: {  	[hbm4b:s28+s4] =	stream.linear.scatter [tilespmem:s19], [sflag:$0x2], $0xA0, $0x38;
	[tilespmem:$0x800] =	vst v63  }
0x89: {  	_ =	swait.ge [sflag:s5], $0xA0  }
0x8a: {  	[sflag:s5] =	ssyncset.done $0x0  }
.LBB2_2:
0x8b: {  	[sflag:s5] =	ssyncadd.s32 $0xFFFFFF60  }
0x8c: {  	_ =	sfence.sel $0x180000  }
0x8d: {  	[bflag:$0x0] =	sbarrier.arrive $0xFFFF  }
0x8e: {  	p0 =	sne.s32 s0, $0x0;
	_ =	strace $0x90000047  }
0x8f: {  	s0 =	sadd.s32 @!p0 $0x100000, s1;
	[bflag:$0x2] =	sbarrier.arrive $0xFFFF  }
0x90: {  	[sflag:s0] =	ssyncadd.tile.s32 @!p0 $0x1;
	_ =	shalt  }
.Lfunc_end2:
_tile_overlayer_lowered:
.L_overlay_start_2:
0x91: {  	(tag) =	ssettag $0x2  }
0x92: {  	s0 =	rddreg [dreg:$0x0];
	s2 =	stileid.u32  }
0x93: {  	s1 =	rddreg [dreg:$0x1];
	p0 =	sne.s32 s2, $0x0  }
0x94: {  	s3 =	rddreg [dreg:$0x2];
	[bflag:$0x3] =	sbarrier.arrive $0xFFFF;
	s2 =	simm.s32 @!p0 $0x1C02  }
0x95: {  	[timem:s3], [sflag:s2] =	dma.local @!p0 [hbm:s0], s1  }
0x96: {  	s0 =	simm.s32 @!p0 $0x2  }
0x97: {  	_ =	swait.ge @!p0 [sflag:s0], s1  }
0x98: {  	s1 =	ssub.s32 @!p0 $0x0, s1;
	[sflag:s0] =	ssyncset.done @!p0 $0x0  }
0x99: {  	[sflag:s0] =	ssyncadd.s32 @!p0 s1  }
0x9a: {  	[bflag:$0x3] =	sbarrier.arrive $0xFFFF  }
0x9b: {  	_ =	shalt  }

</sc_bundles>
